<compile_context>
chip_gen: v7x
topology: tpu7x:2x2x1
jax: 0.10.2.dev20260603
libtpu: 0.0.44.dev20260713+nightly
codegen_flags: <defaults>
</compile_context>

<pallas_src>
import functools

import jax
import jax.numpy as jnp
from jax import lax
from jax.experimental import pallas as pl
from jax.experimental.pallas import tpu as pltpu
from jax.experimental.pallas import tpu_sc as plsc

DIM = 64
VOCAB = 100
VOCAB_PAD = 104
BATCH = 16384
HIST = 50
HIST_PAD = 64
NC, NS = 2, 16
NW = NC * NS
BPW = BATCH // NW
LANE = 16
GRP = BPW // LANE


def _table_body(k_ref, tab_ref, out_ref):
    k = k_ref[0, 0]
    kc = jnp.clip(k, 0.1, 10.0)
    sqrt_k = jnp.sqrt(kc + 1e-08)
    u = tab_ref[:, :]
    norm = jnp.sqrt(jnp.sum(u * u, axis=1, keepdims=True)) + 1e-08
    out_ref[:, :] = jnp.tanh(sqrt_k * norm) * u / (norm + 1e-08)


def _transform_table(table_pad, k_arr):
    return pl.pallas_call(
        _table_body,
        out_shape=jax.ShapeDtypeStruct((VOCAB_PAD, DIM), jnp.float32),
        in_specs=[
            pl.BlockSpec(memory_space=pltpu.SMEM),
            pl.BlockSpec(memory_space=pltpu.VMEM),
        ],
        out_specs=pl.BlockSpec(memory_space=pltpu.VMEM),
    )(k_arr, table_pad)


_MESH = plsc.VectorSubcoreMesh(
    core_axis_name="c", subcore_axis_name="s", num_cores=NC, num_subcores=NS
)


@functools.partial(
    pl.kernel,
    mesh=_MESH,
    compiler_params=pltpu.CompilerParams(needs_layout_passes=False),
    out_type=jax.ShapeDtypeStruct((HIST, DIM, BATCH), jnp.float32),
    scratch_types=[
        pltpu.VMEM((VOCAB_PAD * DIM,), jnp.float32),
        pltpu.VMEM((HIST_PAD, BPW), jnp.int32),
        pltpu.VMEM((2, DIM, BPW), jnp.float32),
        pltpu.SemaphoreType.DMA((2,)),
    ],
)
def _gather(ttable_hbm, idx_hbm, out_hbm, ttab_v, idx_v, stg, wsem):
    wid = lax.axis_index("s") * NC + lax.axis_index("c")
    b0 = wid * BPW
    pltpu.sync_copy(ttable_hbm, ttab_v)
    pltpu.sync_copy(idx_hbm.at[:, pl.ds(b0, BPW)], idx_v)

    def pair(hp, carry):
        for q in (0, 1):
            h = 2 * hp + q
            dst = out_hbm.at[h, :, pl.ds(b0, BPW)]

            @pl.when(hp > 0)
            def _():
                pltpu.make_async_copy(stg.at[q], dst, wsem.at[q]).wait()

            def grp(g, c):
                bv = idx_v[h, pl.ds(LANE * g, LANE)]
                for dblk in range(0, DIM, 8):
                    vals = [
                        plsc.load_gather(ttab_v, [bv + VOCAB_PAD * (dblk + k)])
                        for k in range(8)
                    ]
                    for k in range(8):
                        stg[q, dblk + k, pl.ds(LANE * g, LANE)] = vals[k]
                return c

            lax.fori_loop(0, GRP, grp, 0)
            pltpu.async_copy(stg.at[q], dst, wsem.at[q])
        return carry

    lax.fori_loop(0, HIST // 2, pair, 0)
    for q in (0, 1):
        pltpu.make_async_copy(
            stg.at[q], out_hbm.at[HIST - 2 + q, :, pl.ds(b0, BPW)], wsem.at[q]
        ).wait()


def kernel(idx, table, K):
    table_pad = jnp.pad(table, ((0, VOCAB_PAD - VOCAB), (0, 0)))
    ttable = _transform_table(table_pad, K.reshape(1, 1)).T.reshape(VOCAB_PAD * DIM)
    idx_t = jnp.pad(idx.astype(jnp.int32).T, ((0, HIST_PAD - HIST), (0, 0)))
    out = _gather(ttable, idx_t)
    return jnp.transpose(out, (2, 0, 1))

# --- scband reference (transcript-rebuilt; emitter-appended) ---
"""Pipeline reference for scband-poincare-ball-27212912788151 (READ-ONLY COPY).

The authoritative reference and input builder live on the scoring server;
editing this copy changes nothing except your own understanding.
"""

import jax, jax.numpy as jnp
import numpy as np

DIM = 64
VOCAB = 100
BATCH = 16384
HIST = 50


def expmap0(u, K):
    Kc = jnp.clip(K, 0.1, 10.0)
    sqrtK = jnp.sqrt(Kc + 1e-08)
    norm_u = jnp.linalg.norm(u, axis=-1, keepdims=True) + 1e-08
    theta = sqrtK * norm_u
    return jnp.tanh(theta) * u / (norm_u + 1e-08)


def setup_inputs(seed: int = 0) -> dict:
    key = jax.random.key(seed)
    k1, k2 = jax.random.split(key)
    idx = jax.random.randint(k1, (BATCH, HIST), 0, VOCAB)
    table = jax.random.normal(k2, (VOCAB, DIM), dtype=jnp.float32)
    K = jnp.array(1.0, dtype=jnp.float32)
    return {"idx": idx, "table": table, "K": K}


def reference(idx, table, K):
    # embed(idx): gather rows from embedding table then project via expmap0
    u = jnp.take(table, idx, axis=0)
    return expmap0(u, K)

if __name__ == "__main__":
    import jax
    _d = setup_inputs()
    print(jax.jit(kernel)(*tuple(_d.values())))

</pallas_src>

<mosaic_0001>
#map = affine_map<(d0, d1) -> (0)>
#map1 = affine_map<(d0, d1) -> (0, 0)>
#map2 = affine_map<(d0, d1) -> (0, 0, 0)>
module attributes {stable_mosaic.version = 14 : i64} {
  func.func @_gather(%arg0: i32, %arg1: i32, %arg2: memref<6656xf32, #tpu.memory_space<hbm>>, %arg3: memref<64x16384xi32, #tpu.memory_space<hbm>>, %arg4: memref<50x64x16384xf32, #tpu.memory_space<hbm>>, %arg5: memref<6656xf32, #tpu.memory_space<vmem>>, %arg6: memref<64x512xi32, #tpu.memory_space<vmem>>, %arg7: memref<2x64x512xf32, #tpu.memory_space<vmem>>, %arg8: memref<2x!tpu.dma_semaphore, #tpu.memory_space<semaphore_mem>>) attributes {dimension_semantics = [#tpu.dimension_semantics<core_parallel>, #tpu.dimension_semantics<subcore_parallel>], iteration_bounds = array<i64: 2, 16>, scalar_prefetch = 0 : i64, scratch_operands = 4 : i64, tpu.core_type = #tpu.core_type<sc_vector_subcore>, window_params = [{transform_indices = #map}, {transform_indices = #map1}, {transform_indices = #map2}]} {
    %mul3A = arith.constant 2 : i32
    %mul3A_0 = arith.muli %arg1, %mul3A : i32
    %add3A = arith.addi %mul3A_0, %arg0 : i32
    %mul3A_1 = arith.constant 512 : i32
    %mul3A_2 = arith.muli %add3A, %mul3A_1 : i32
    "tpu.region"() ({
      %run_scoped3A = tpu.sem_alloc : memref<!tpu.dma_semaphore, #tpu.memory_space<semaphore_mem>>
      tpu.enqueue_dma source(%arg2 : memref<6656xf32, #tpu.memory_space<hbm>>) target(%arg5 : memref<6656xf32, #tpu.memory_space<vmem>>) target_semaphore(%run_scoped3A : memref<!tpu.dma_semaphore, #tpu.memory_space<semaphore_mem>>)
      tpu.wait_dma2 semaphore(%run_scoped3A : memref<!tpu.dma_semaphore, #tpu.memory_space<semaphore_mem>>) src(%arg2 : memref<6656xf32, #tpu.memory_space<hbm>>) dst(%arg5 : memref<6656xf32, #tpu.memory_space<vmem>>)
      tpu.yield
    }) : () -> ()
    "tpu.region"() ({
      %run_scoped3A = tpu.sem_alloc : memref<!tpu.dma_semaphore, #tpu.memory_space<semaphore_mem>>
      %dma_start3A = arith.constant 0 : i32
      %dma_start3A_45 = tpu.memref_slice %arg3[%dma_start3A, %mul3A_2] : memref<64x16384xi32, #tpu.memory_space<hbm>> -> memref<64x512xi32, #tpu.memory_space<hbm>>
      %dma_start3A_46 = arith.constant 0 : i32
      %dma_start3A_47 = tpu.memref_slice %arg3[%dma_start3A_46, %mul3A_2] : memref<64x16384xi32, #tpu.memory_space<hbm>> -> memref<64x512xi32, #tpu.memory_space<hbm>>
      tpu.enqueue_dma source(%dma_start3A_47 : memref<64x512xi32, #tpu.memory_space<hbm>>) target(%arg6 : memref<64x512xi32, #tpu.memory_space<vmem>>) target_semaphore(%run_scoped3A : memref<!tpu.dma_semaphore, #tpu.memory_space<semaphore_mem>>)
      %dma_wait3A_48 = arith.constant 0 : i32
      %dma_wait3A_49 = tpu.memref_slice %arg3[%dma_wait3A_48, %mul3A_2] : memref<64x16384xi32, #tpu.memory_space<hbm>> -> memref<64x512xi32, #tpu.memory_space<hbm>>
      %dma_wait3A_50 = arith.constant 0 : i32
      %dma_wait3A_51 = tpu.memref_slice %arg3[%dma_wait3A_50, %mul3A_2] : memref<64x16384xi32, #tpu.memory_space<hbm>> -> memref<64x512xi32, #tpu.memory_space<hbm>>
      tpu.wait_dma2 semaphore(%run_scoped3A : memref<!tpu.dma_semaphore, #tpu.memory_space<semaphore_mem>>) src(%dma_wait3A_51 : memref<64x512xi32, #tpu.memory_space<hbm>>) dst(%arg6 : memref<64x512xi32, #tpu.memory_space<vmem>>)
      tpu.yield
    }) : () -> ()
    %scan3A = arith.constant 0 : i32
    %scan3A_3 = arith.constant 0 : i32
    %scan3A_4 = arith.constant 25 : i32
    %scan3A_5 = arith.addi %scan3A_3, %scan3A_4 : i32
    %scan3A_6 = arith.constant 1 : i32
    scf.for %scan3A_45 = %scan3A_3 to %scan3A_5 step %scan3A_6  : i32 {
      %mul3A_46 = arith.constant 2 : i32
      %mul3A_47 = arith.muli %mul3A_46, %scan3A_45 : i32
      %add3A_48 = arith.constant 0 : i32
      %add3A_49 = arith.addi %mul3A_47, %add3A_48 : i32
      %gt3A = arith.constant 0 : i32
      %gt3A_50 = arith.cmpi sgt, %scan3A_45, %gt3A : i32
      %convert_element_type3A = arith.extui %gt3A_50 : i1 to i32
      %cond3A = arith.constant 0 : i32
      %cond3A_51 = arith.cmpi ne, %convert_element_type3A, %cond3A : i32
      scf.if %cond3A_51 {
        %dma_wait3A_108 = arith.constant 0 : i32
        %dma_wait3A_109 = arith.constant 0 : i32
        %dma_wait3A_110 = arith.constant 0 : i32
        %dma_wait3A_111 = arith.constant 0 : i32
        %dma_wait3A_112 = tpu.memref_slice %arg7[%dma_wait3A_108, %dma_wait3A_110, %dma_wait3A_111] : memref<2x64x512xf32, #tpu.memory_space<vmem>> -> memref<1x64x512xf32, #tpu.memory_space<vmem>>
        %dma_wait3A_113 = tpu.memref_squeeze %dma_wait3A_112 : memref<1x64x512xf32, #tpu.memory_space<vmem>> -> memref<64x512xf32, #tpu.memory_space<vmem>>
        %dma_wait3A_114 = arith.constant 0 : i32
        %dma_wait3A_115 = tpu.memref_slice %arg4[%add3A_49, %dma_wait3A_114, %mul3A_2] : memref<50x64x16384xf32, #tpu.memory_space<hbm>> -> memref<1x64x512xf32, #tpu.memory_space<hbm>>
        %dma_wait3A_116 = tpu.memref_squeeze %dma_wait3A_115 : memref<1x64x512xf32, #tpu.memory_space<hbm>> -> memref<64x512xf32, #tpu.memory_space<hbm>>
        %dma_wait3A_117 = tpu.memref_slice %arg8[%dma_wait3A_109] : memref<2x!tpu.dma_semaphore, #tpu.memory_space<semaphore_mem>> -> memref<1x!tpu.dma_semaphore, #tpu.memory_space<semaphore_mem>>
        %dma_wait3A_118 = tpu.memref_squeeze %dma_wait3A_117 : memref<1x!tpu.dma_semaphore, #tpu.memory_space<semaphore_mem>> -> memref<!tpu.dma_semaphore, #tpu.memory_space<semaphore_mem>>
        %dma_wait3A_119 = arith.constant 0 : i32
        %dma_wait3A_120 = tpu.memref_slice %arg4[%add3A_49, %dma_wait3A_119, %mul3A_2] : memref<50x64x16384xf32, #tpu.memory_space<hbm>> -> memref<1x64x512xf32, #tpu.memory_space<hbm>>
        %dma_wait3A_121 = tpu.memref_squeeze %dma_wait3A_120 : memref<1x64x512xf32, #tpu.memory_space<hbm>> -> memref<64x512xf32, #tpu.memory_space<hbm>>
        %dma_wait3A_122 = arith.constant 0 : i32
        %dma_wait3A_123 = arith.constant 0 : i32
        %dma_wait3A_124 = tpu.memref_slice %arg7[%dma_wait3A_108, %dma_wait3A_122, %dma_wait3A_123] : memref<2x64x512xf32, #tpu.memory_space<vmem>> -> memref<1x64x512xf32, #tpu.memory_space<vmem>>
        %dma_wait3A_125 = tpu.memref_squeeze %dma_wait3A_124 : memref<1x64x512xf32, #tpu.memory_space<vmem>> -> memref<64x512xf32, #tpu.memory_space<vmem>>
        tpu.wait_dma2 semaphore(%dma_wait3A_118 : memref<!tpu.dma_semaphore, #tpu.memory_space<semaphore_mem>>) src(%dma_wait3A_125 : memref<64x512xf32, #tpu.memory_space<vmem>>) dst(%dma_wait3A_121 : memref<64x512xf32, #tpu.memory_space<hbm>>)
      } else {
      }
      %scan3A_52 = arith.constant 0 : i32
      %scan3A_53 = arith.constant 0 : i32
      %scan3A_54 = arith.constant 32 : i32
      %scan3A_55 = arith.addi %scan3A_53, %scan3A_54 : i32
      %scan3A_56 = arith.constant 1 : i32
      scf.for %scan3A_108 = %scan3A_53 to %scan3A_55 step %scan3A_56  : i32 {
        %mul3A_109 = arith.constant 16 : i32
        %mul3A_110 = arith.muli %mul3A_109, %scan3A_108 : i32
        %get3A = arith.index_cast %add3A_49 : i32 to index
        %get3A_111 = arith.index_cast %mul3A_110 : i32 to index
        %get3A_112 = tpu.vector_load %arg6[%get3A, %get3A_111] {strides = array<i32>} : memref<64x512xi32, #tpu.memory_space<vmem>>, vector<16xi32>,
        %add3A_113 = arith.constant 0 : i32
        %add3A_114 = vector.broadcast %add3A_113 : i32 to vector<16xi32>
        %add3A_115 = arith.addi %get3A_112, %add3A_114 : vector<16xi32>
        %gather3A = tpu.vector_load_idx %arg5[%add3A_115] : memref<6656xf32, #tpu.memory_space<vmem>>[vector<16xi32>], vector<16xf32>,
        %add3A_116 = arith.constant 104 : i32
        %add3A_117 = vector.broadcast %add3A_116 : i32 to vector<16xi32>
        %add3A_118 = arith.addi %get3A_112, %add3A_117 : vector<16xi32>
        %gather3A_119 = tpu.vector_load_idx %arg5[%add3A_118] : memref<6656xf32, #tpu.memory_space<vmem>>[vector<16xi32>], vector<16xf32>,
        %add3A_120 = arith.constant 208 : i32
        %add3A_121 = vector.broadcast %add3A_120 : i32 to vector<16xi32>
        %add3A_122 = arith.addi %get3A_112, %add3A_121 : vector<16xi32>
        %gather3A_123 = tpu.vector_load_idx %arg5[%add3A_122] : memref<6656xf32, #tpu.memory_space<vmem>>[vector<16xi32>], vector<16xf32>,
        %add3A_124 = arith.constant 312 : i32
        %add3A_125 = vector.broadcast %add3A_124 : i32 to vector<16xi32>
        %add3A_126 = arith.addi %get3A_112, %add3A_125 : vector<16xi32>
        %gather3A_127 = tpu.vector_load_idx %arg5[%add3A_126] : memref<6656xf32, #tpu.memory_space<vmem>>[vector<16xi32>], vector<16xf32>,
        %add3A_128 = arith.constant 416 : i32
        %add3A_129 = vector.broadcast %add3A_128 : i32 to vector<16xi32>
        %add3A_130 = arith.addi %get3A_112, %add3A_129 : vector<16xi32>
        %gather3A_131 = tpu.vector_load_idx %arg5[%add3A_130] : memref<6656xf32, #tpu.memory_space<vmem>>[vector<16xi32>], vector<16xf32>,
        %add3A_132 = arith.constant 520 : i32
        %add3A_133 = vector.broadcast %add3A_132 : i32 to vector<16xi32>
        %add3A_134 = arith.addi %get3A_112, %add3A_133 : vector<16xi32>
        %gather3A_135 = tpu.vector_load_idx %arg5[%add3A_134] : memref<6656xf32, #tpu.memory_space<vmem>>[vector<16xi32>], vector<16xf32>,
        %add3A_136 = arith.constant 624 : i32
        %add3A_137 = vector.broadcast %add3A_136 : i32 to vector<16xi32>
        %add3A_138 = arith.addi %get3A_112, %add3A_137 : vector<16xi32>
        %gather3A_139 = tpu.vector_load_idx %arg5[%add3A_138] : memref<6656xf32, #tpu.memory_space<vmem>>[vector<16xi32>], vector<16xf32>,
        %add3A_140 = arith.constant 728 : i32
        %add3A_141 = vector.broadcast %add3A_140 : i32 to vector<16xi32>
        %add3A_142 = arith.addi %get3A_112, %add3A_141 : vector<16xi32>
        %gather3A_143 = tpu.vector_load_idx %arg5[%add3A_142] : memref<6656xf32, #tpu.memory_space<vmem>>[vector<16xi32>], vector<16xf32>,
        %mul3A_144 = arith.constant 16 : i32
        %mul3A_145 = arith.muli %mul3A_144, %scan3A_108 : i32
        %swap3A = arith.constant 0 : i32
        %swap3A_146 = arith.constant 0 : i32
        %swap3A_147 = arith.index_cast %swap3A : i32 to index
        %swap3A_148 = arith.index_cast %swap3A_146 : i32 to index
        %swap3A_149 = arith.index_cast %mul3A_145 : i32 to index
        %swap3A_150 = tpu.vector_load %arg7[%swap3A_147, %swap3A_148, %swap3A_149] {strides = array<i32>} : memref<2x64x512xf32, #tpu.memory_space<vmem>>, vector<16xf32>,
        tpu.vector_store %arg7[%swap3A_147, %swap3A_148, %swap3A_149], %gather3A {strides = array<i32>} : memref<2x64x512xf32, #tpu.memory_space<vmem>>, vector<16xf32>,
        %mul3A_151 = arith.constant 16 : i32
        %mul3A_152 = arith.muli %mul3A_151, %scan3A_108 : i32
        %swap3A_153 = arith.constant 0 : i32
        %swap3A_154 = arith.constant 1 : i32
        %swap3A_155 = arith.index_cast %swap3A_153 : i32 to index
        %swap3A_156 = arith.index_cast %swap3A_154 : i32 to index
        %swap3A_157 = arith.index_cast %mul3A_152 : i32 to index
        %swap3A_158 = tpu.vector_load %arg7[%swap3A_155, %swap3A_156, %swap3A_157] {strides = array<i32>} : memref<2x64x512xf32, #tpu.memory_space<vmem>>, vector<16xf32>,
        tpu.vector_store %arg7[%swap3A_155, %swap3A_156, %swap3A_157], %gather3A_119 {strides = array<i32>} : memref<2x64x512xf32, #tpu.memory_space<vmem>>, vector<16xf32>,
        %mul3A_159 = arith.constant 16 : i32
        %mul3A_160 = arith.muli %mul3A_159, %scan3A_108 : i32
        %swap3A_161 = arith.constant 0 : i32
        %swap3A_162 = arith.constant 2 : i32
        %swap3A_163 = arith.index_cast %swap3A_161 : i32 to index
        %swap3A_164 = arith.index_cast %swap3A_162 : i32 to index
        %swap3A_165 = arith.index_cast %mul3A_160 : i32 to index
        %swap3A_166 = tpu.vector_load %arg7[%swap3A_163, %swap3A_164, %swap3A_165] {strides = array<i32>} : memref<2x64x512xf32, #tpu.memory_space<vmem>>, vector<16xf32>,
        tpu.vector_store %arg7[%swap3A_163, %swap3A_164, %swap3A_165], %gather3A_123 {strides = array<i32>} : memref<2x64x512xf32, #tpu.memory_space<vmem>>, vector<16xf32>,
        %mul3A_167 = arith.constant 16 : i32
        %mul3A_168 = arith.muli %mul3A_167, %scan3A_108 : i32
        %swap3A_169 = arith.constant 0 : i32
        %swap3A_170 = arith.constant 3 : i32
        %swap3A_171 = arith.index_cast %swap3A_169 : i32 to index
        %swap3A_172 = arith.index_cast %swap3A_170 : i32 to index
        %swap3A_173 = arith.index_cast %mul3A_168 : i32 to index
        %swap3A_174 = tpu.vector_load %arg7[%swap3A_171, %swap3A_172, %swap3A_173] {strides = array<i32>} : memref<2x64x512xf32, #tpu.memory_space<vmem>>, vector<16xf32>,
        tpu.vector_store %arg7[%swap3A_171, %swap3A_172, %swap3A_173], %gather3A_127 {strides = array<i32>} : memref<2x64x512xf32, #tpu.memory_space<vmem>>, vector<16xf32>,
        %mul3A_175 = arith.constant 16 : i32
        %mul3A_176 = arith.muli %mul3A_175, %scan3A_108 : i32
        %swap3A_177 = arith.constant 0 : i32
        %swap3A_178 = arith.constant 4 : i32
        %swap3A_179 = arith.index_cast %swap3A_177 : i32 to index
        %swap3A_180 = arith.index_cast %swap3A_178 : i32 to index
        %swap3A_181 = arith.index_cast %mul3A_176 : i32 to index
        %swap3A_182 = tpu.vector_load %arg7[%swap3A_179, %swap3A_180, %swap3A_181] {strides = array<i32>} : memref<2x64x512xf32, #tpu.memory_space<vmem>>, vector<16xf32>,
        tpu.vector_store %arg7[%swap3A_179, %swap3A_180, %swap3A_181], %gather3A_131 {strides = array<i32>} : memref<2x64x512xf32, #tpu.memory_space<vmem>>, vector<16xf32>,
        %mul3A_183 = arith.constant 16 : i32
        %mul3A_184 = arith.muli %mul3A_183, %scan3A_108 : i32
        %swap3A_185 = arith.constant 0 : i32
        %swap3A_186 = arith.constant 5 : i32
        %swap3A_187 = arith.index_cast %swap3A_185 : i32 to index
        %swap3A_188 = arith.index_cast %swap3A_186 : i32 to index
        %swap3A_189 = arith.index_cast %mul3A_184 : i32 to index
        %swap3A_190 = tpu.vector_load %arg7[%swap3A_187, %swap3A_188, %swap3A_189] {strides = array<i32>} : memref<2x64x512xf32, #tpu.memory_space<vmem>>, vector<16xf32>,
        tpu.vector_store %arg7[%swap3A_187, %swap3A_188, %swap3A_189], %gather3A_135 {strides = array<i32>} : memref<2x64x512xf32, #tpu.memory_space<vmem>>, vector<16xf32>,
        %mul3A_191 = arith.constant 16 : i32
        %mul3A_192 = arith.muli %mul3A_191, %scan3A_108 : i32
        %swap3A_193 = arith.constant 0 : i32
        %swap3A_194 = arith.constant 6 : i32
        %swap3A_195 = arith.index_cast %swap3A_193 : i32 to index
        %swap3A_196 = arith.index_cast %swap3A_194 : i32 to index
        %swap3A_197 = arith.index_cast %mul3A_192 : i32 to index
        %swap3A_198 = tpu.vector_load %arg7[%swap3A_195, %swap3A_196, %swap3A_197] {strides = array<i32>} : memref<2x64x512xf32, #tpu.memory_space<vmem>>, vector<16xf32>,
        tpu.vector_store %arg7[%swap3A_195, %swap3A_196, %swap3A_197], %gather3A_139 {strides = array<i32>} : memref<2x64x512xf32, #tpu.memory_space<vmem>>, vector<16xf32>,
        %mul3A_199 = arith.constant 16 : i32
        %mul3A_200 = arith.muli %mul3A_199, %scan3A_108 : i32
        %swap3A_201 = arith.constant 0 : i32
        %swap3A_202 = arith.constant 7 : i32
        %swap3A_203 = arith.index_cast %swap3A_201 : i32 to index
        %swap3A_204 = arith.index_cast %swap3A_202 : i32 to index
        %swap3A_205 = arith.index_cast %mul3A_200 : i32 to index
        %swap3A_206 = tpu.vector_load %arg7[%swap3A_203, %swap3A_204, %swap3A_205] {strides = array<i32>} : memref<2x64x512xf32, #tpu.memory_space<vmem>>, vector<16xf32>,
        tpu.vector_store %arg7[%swap3A_203, %swap3A_204, %swap3A_205], %gather3A_143 {strides = array<i32>} : memref<2x64x512xf32, #tpu.memory_space<vmem>>, vector<16xf32>,
        %add3A_207 = arith.constant 832 : i32
        %add3A_208 = vector.broadcast %add3A_207 : i32 to vector<16xi32>
        %add3A_209 = arith.addi %get3A_112, %add3A_208 : vector<16xi32>
        %gather3A_210 = tpu.vector_load_idx %arg5[%add3A_209] : memref<6656xf32, #tpu.memory_space<vmem>>[vector<16xi32>], vector<16xf32>,
        %add3A_211 = arith.constant 936 : i32
        %add3A_212 = vector.broadcast %add3A_211 : i32 to vector<16xi32>
        %add3A_213 = arith.addi %get3A_112, %add3A_212 : vector<16xi32>
        %gather3A_214 = tpu.vector_load_idx %arg5[%add3A_213] : memref<6656xf32, #tpu.memory_space<vmem>>[vector<16xi32>], vector<16xf32>,
        %add3A_215 = arith.constant 1040 : i32
        %add3A_216 = vector.broadcast %add3A_215 : i32 to vector<16xi32>
        %add3A_217 = arith.addi %get3A_112, %add3A_216 : vector<16xi32>
        %gather3A_218 = tpu.vector_load_idx %arg5[%add3A_217] : memref<6656xf32, #tpu.memory_space<vmem>>[vector<16xi32>], vector<16xf32>,
        %add3A_219 = arith.constant 1144 : i32
        %add3A_220 = vector.broadcast %add3A_219 : i32 to vector<16xi32>
        %add3A_221 = arith.addi %get3A_112, %add3A_220 : vector<16xi32>
        %gather3A_222 = tpu.vector_load_idx %arg5[%add3A_221] : memref<6656xf32, #tpu.memory_space<vmem>>[vector<16xi32>], vector<16xf32>,
        %add3A_223 = arith.constant 1248 : i32
        %add3A_224 = vector.broadcast %add3A_223 : i32 to vector<16xi32>
        %add3A_225 = arith.addi %get3A_112, %add3A_224 : vector<16xi32>
        %gather3A_226 = tpu.vector_load_idx %arg5[%add3A_225] : memref<6656xf32, #tpu.memory_space<vmem>>[vector<16xi32>], vector<16xf32>,
        %add3A_227 = arith.constant 1352 : i32
        %add3A_228 = vector.broadcast %add3A_227 : i32 to vector<16xi32>
        %add3A_229 = arith.addi %get3A_112, %add3A_228 : vector<16xi32>
        %gather3A_230 = tpu.vector_load_idx %arg5[%add3A_229] : memref<6656xf32, #tpu.memory_space<vmem>>[vector<16xi32>], vector<16xf32>,
        %add3A_231 = arith.constant 1456 : i32
        %add3A_232 = vector.broadcast %add3A_231 : i32 to vector<16xi32>
        %add3A_233 = arith.addi %get3A_112, %add3A_232 : vector<16xi32>
        %gather3A_234 = tpu.vector_load_idx %arg5[%add3A_233] : memref<6656xf32, #tpu.memory_space<vmem>>[vector<16xi32>], vector<16xf32>,
        %add3A_235 = arith.constant 1560 : i32
        %add3A_236 = vector.broadcast %add3A_235 : i32 to vector<16xi32>
        %add3A_237 = arith.addi %get3A_112, %add3A_236 : vector<16xi32>
        %gather3A_238 = tpu.vector_load_idx %arg5[%add3A_237] : memref<6656xf32, #tpu.memory_space<vmem>>[vector<16xi32>], vector<16xf32>,
        %mul3A_239 = arith.constant 16 : i32
        %mul3A_240 = arith.muli %mul3A_239, %scan3A_108 : i32
        %swap3A_241 = arith.constant 0 : i32
        %swap3A_242 = arith.constant 8 : i32
        %swap3A_243 = arith.index_cast %swap3A_241 : i32 to index
        %swap3A_244 = arith.index_cast %swap3A_242 : i32 to index
        %swap3A_245 = arith.index_cast %mul3A_240 : i32 to index
        %swap3A_246 = tpu.vector_load %arg7[%swap3A_243, %swap3A_244, %swap3A_245] {strides = array<i32>} : memref<2x64x512xf32, #tpu.memory_space<vmem>>, vector<16xf32>,
        tpu.vector_store %arg7[%swap3A_243, %swap3A_244, %swap3A_245], %gather3A_210 {strides = array<i32>} : memref<2x64x512xf32, #tpu.memory_space<vmem>>, vector<16xf32>,
        %mul3A_247 = arith.constant 16 : i32
        %mul3A_248 = arith.muli %mul3A_247, %scan3A_108 : i32
        %swap3A_249 = arith.constant 0 : i32
        %swap3A_250 = arith.constant 9 : i32
        %swap3A_251 = arith.index_cast %swap3A_249 : i32 to index
        %swap3A_252 = arith.index_cast %swap3A_250 : i32 to index
        %swap3A_253 = arith.index_cast %mul3A_248 : i32 to index
        %swap3A_254 = tpu.vector_load %arg7[%swap3A_251, %swap3A_252, %swap3A_253] {strides = array<i32>} : memref<2x64x512xf32, #tpu.memory_space<vmem>>, vector<16xf32>,
        tpu.vector_store %arg7[%swap3A_251, %swap3A_252, %swap3A_253], %gather3A_214 {strides = array<i32>} : memref<2x64x512xf32, #tpu.memory_space<vmem>>, vector<16xf32>,
        %mul3A_255 = arith.constant 16 : i32
        %mul3A_256 = arith.muli %mul3A_255, %scan3A_108 : i32
        %swap3A_257 = arith.constant 0 : i32
        %swap3A_258 = arith.constant 10 : i32
        %swap3A_259 = arith.index_cast %swap3A_257 : i32 to index
        %swap3A_260 = arith.index_cast %swap3A_258 : i32 to index
        %swap3A_261 = arith.index_cast %mul3A_256 : i32 to index
        %swap3A_262 = tpu.vector_load %arg7[%swap3A_259, %swap3A_260, %swap3A_261] {strides = array<i32>} : memref<2x64x512xf32, #tpu.memory_space<vmem>>, vector<16xf32>,
        tpu.vector_store %arg7[%swap3A_259, %swap3A_260, %swap3A_261], %gather3A_218 {strides = array<i32>} : memref<2x64x512xf32, #tpu.memory_space<vmem>>, vector<16xf32>,
        %mul3A_263 = arith.constant 16 : i32
        %mul3A_264 = arith.muli %mul3A_263, %scan3A_108 : i32
        %swap3A_265 = arith.constant 0 : i32
        %swap3A_266 = arith.constant 11 : i32
        %swap3A_267 = arith.index_cast %swap3A_265 : i32 to index
        %swap3A_268 = arith.index_cast %swap3A_266 : i32 to index
        %swap3A_269 = arith.index_cast %mul3A_264 : i32 to index
        %swap3A_270 = tpu.vector_load %arg7[%swap3A_267, %swap3A_268, %swap3A_269] {strides = array<i32>} : memref<2x64x512xf32, #tpu.memory_space<vmem>>, vector<16xf32>,
        tpu.vector_store %arg7[%swap3A_267, %swap3A_268, %swap3A_269], %gather3A_222 {strides = array<i32>} : memref<2x64x512xf32, #tpu.memory_space<vmem>>, vector<16xf32>,
        %mul3A_271 = arith.constant 16 : i32
        %mul3A_272 = arith.muli %mul3A_271, %scan3A_108 : i32
        %swap3A_273 = arith.constant 0 : i32
        %swap3A_274 = arith.constant 12 : i32
        %swap3A_275 = arith.index_cast %swap3A_273 : i32 to index
        %swap3A_276 = arith.index_cast %swap3A_274 : i32 to index
        %swap3A_277 = arith.index_cast %mul3A_272 : i32 to index
        %swap3A_278 = tpu.vector_load %arg7[%swap3A_275, %swap3A_276, %swap3A_277] {strides = array<i32>} : memref<2x64x512xf32, #tpu.memory_space<vmem>>, vector<16xf32>,
        tpu.vector_store %arg7[%swap3A_275, %swap3A_276, %swap3A_277], %gather3A_226 {strides = array<i32>} : memref<2x64x512xf32, #tpu.memory_space<vmem>>, vector<16xf32>,
        %mul3A_279 = arith.constant 16 : i32
        %mul3A_280 = arith.muli %mul3A_279, %scan3A_108 : i32
        %swap3A_281 = arith.constant 0 : i32
        %swap3A_282 = arith.constant 13 : i32
        %swap3A_283 = arith.index_cast %swap3A_281 : i32 to index
        %swap3A_284 = arith.index_cast %swap3A_282 : i32 to index
        %swap3A_285 = arith.index_cast %mul3A_280 : i32 to index
        %swap3A_286 = tpu.vector_load %arg7[%swap3A_283, %swap3A_284, %swap3A_285] {strides = array<i32>} : memref<2x64x512xf32, #tpu.memory_space<vmem>>, vector<16xf32>,
        tpu.vector_store %arg7[%swap3A_283, %swap3A_284, %swap3A_285], %gather3A_230 {strides = array<i32>} : memref<2x64x512xf32, #tpu.memory_space<vmem>>, vector<16xf32>,
        %mul3A_287 = arith.constant 16 : i32
        %mul3A_288 = arith.muli %mul3A_287, %scan3A_108 : i32
        %swap3A_289 = arith.constant 0 : i32
        %swap3A_290 = arith.constant 14 : i32
        %swap3A_291 = arith.index_cast %swap3A_289 : i32 to index
        %swap3A_292 = arith.index_cast %swap3A_290 : i32 to index
        %swap3A_293 = arith.index_cast %mul3A_288 : i32 to index
        %swap3A_294 = tpu.vector_load %arg7[%swap3A_291, %swap3A_292, %swap3A_293] {strides = array<i32>} : memref<2x64x512xf32, #tpu.memory_space<vmem>>, vector<16xf32>,
        tpu.vector_store %arg7[%swap3A_291, %swap3A_292, %swap3A_293], %gather3A_234 {strides = array<i32>} : memref<2x64x512xf32, #tpu.memory_space<vmem>>, vector<16xf32>,
        %mul3A_295 = arith.constant 16 : i32
        %mul3A_296 = arith.muli %mul3A_295, %scan3A_108 : i32
        %swap3A_297 = arith.constant 0 : i32
        %swap3A_298 = arith.constant 15 : i32
        %swap3A_299 = arith.index_cast %swap3A_297 : i32 to index
        %swap3A_300 = arith.index_cast %swap3A_298 : i32 to index
        %swap3A_301 = arith.index_cast %mul3A_296 : i32 to index
        %swap3A_302 = tpu.vector_load %arg7[%swap3A_299, %swap3A_300, %swap3A_301] {strides = array<i32>} : memref<2x64x512xf32, #tpu.memory_space<vmem>>, vector<16xf32>,
        tpu.vector_store %arg7[%swap3A_299, %swap3A_300, %swap3A_301], %gather3A_238 {strides = array<i32>} : memref<2x64x512xf32, #tpu.memory_space<vmem>>, vector<16xf32>,
        %add3A_303 = arith.constant 1664 : i32
        %add3A_304 = vector.broadcast %add3A_303 : i32 to vector<16xi32>
        %add3A_305 = arith.addi %get3A_112, %add3A_304 : vector<16xi32>
        %gather3A_306 = tpu.vector_load_idx %arg5[%add3A_305] : memref<6656xf32, #tpu.memory_space<vmem>>[vector<16xi32>], vector<16xf32>,
        %add3A_307 = arith.constant 1768 : i32
        %add3A_308 = vector.broadcast %add3A_307 : i32 to vector<16xi32>
        %add3A_309 = arith.addi %get3A_112, %add3A_308 : vector<16xi32>
        %gather3A_310 = tpu.vector_load_idx %arg5[%add3A_309] : memref<6656xf32, #tpu.memory_space<vmem>>[vector<16xi32>], vector<16xf32>,
        %add3A_311 = arith.constant 1872 : i32
        %add3A_312 = vector.broadcast %add3A_311 : i32 to vector<16xi32>
        %add3A_313 = arith.addi %get3A_112, %add3A_312 : vector<16xi32>
        %gather3A_314 = tpu.vector_load_idx %arg5[%add3A_313] : memref<6656xf32, #tpu.memory_space<vmem>>[vector<16xi32>], vector<16xf32>,
        %add3A_315 = arith.constant 1976 : i32
        %add3A_316 = vector.broadcast %add3A_315 : i32 to vector<16xi32>
        %add3A_317 = arith.addi %get3A_112, %add3A_316 : vector<16xi32>
        %gather3A_318 = tpu.vector_load_idx %arg5[%add3A_317] : memref<6656xf32, #tpu.memory_space<vmem>>[vector<16xi32>], vector<16xf32>,
        %add3A_319 = arith.constant 2080 : i32
        %add3A_320 = vector.broadcast %add3A_319 : i32 to vector<16xi32>
        %add3A_321 = arith.addi %get3A_112, %add3A_320 : vector<16xi32>
        %gather3A_322 = tpu.vector_load_idx %arg5[%add3A_321] : memref<6656xf32, #tpu.memory_space<vmem>>[vector<16xi32>], vector<16xf32>,
        %add3A_323 = arith.constant 2184 : i32
        %add3A_324 = vector.broadcast %add3A_323 : i32 to vector<16xi32>
        %add3A_325 = arith.addi %get3A_112, %add3A_324 : vector<16xi32>
        %gather3A_326 = tpu.vector_load_idx %arg5[%add3A_325] : memref<6656xf32, #tpu.memory_space<vmem>>[vector<16xi32>], vector<16xf32>,
        %add3A_327 = arith.constant 2288 : i32
        %add3A_328 = vector.broadcast %add3A_327 : i32 to vector<16xi32>
        %add3A_329 = arith.addi %get3A_112, %add3A_328 : vector<16xi32>
        %gather3A_330 = tpu.vector_load_idx %arg5[%add3A_329] : memref<6656xf32, #tpu.memory_space<vmem>>[vector<16xi32>], vector<16xf32>,
        %add3A_331 = arith.constant 2392 : i32
        %add3A_332 = vector.broadcast %add3A_331 : i32 to vector<16xi32>
        %add3A_333 = arith.addi %get3A_112, %add3A_332 : vector<16xi32>
        %gather3A_334 = tpu.vector_load_idx %arg5[%add3A_333] : memref<6656xf32, #tpu.memory_space<vmem>>[vector<16xi32>], vector<16xf32>,
        %mul3A_335 = arith.constant 16 : i32
        %mul3A_336 = arith.muli %mul3A_335, %scan3A_108 : i32
        %swap3A_337 = arith.constant 0 : i32
        %swap3A_338 = arith.constant 16 : i32
        %swap3A_339 = arith.index_cast %swap3A_337 : i32 to index
        %swap3A_340 = arith.index_cast %swap3A_338 : i32 to index
        %swap3A_341 = arith.index_cast %mul3A_336 : i32 to index
        %swap3A_342 = tpu.vector_load %arg7[%swap3A_339, %swap3A_340, %swap3A_341] {strides = array<i32>} : memref<2x64x512xf32, #tpu.memory_space<vmem>>, vector<16xf32>,
        tpu.vector_store %arg7[%swap3A_339, %swap3A_340, %swap3A_341], %gather3A_306 {strides = array<i32>} : memref<2x64x512xf32, #tpu.memory_space<vmem>>, vector<16xf32>,
        %mul3A_343 = arith.constant 16 : i32
        %mul3A_344 = arith.muli %mul3A_343, %scan3A_108 : i32
        %swap3A_345 = arith.constant 0 : i32
        %swap3A_346 = arith.constant 17 : i32
        %swap3A_347 = arith.index_cast %swap3A_345 : i32 to index
        %swap3A_348 = arith.index_cast %swap3A_346 : i32 to index
        %swap3A_349 = arith.index_cast %mul3A_344 : i32 to index
        %swap3A_350 = tpu.vector_load %arg7[%swap3A_347, %swap3A_348, %swap3A_349] {strides = array<i32>} : memref<2x64x512xf32, #tpu.memory_space<vmem>>, vector<16xf32>,
        tpu.vector_store %arg7[%swap3A_347, %swap3A_348, %swap3A_349], %gather3A_310 {strides = array<i32>} : memref<2x64x512xf32, #tpu.memory_space<vmem>>, vector<16xf32>,
        %mul3A_351 = arith.constant 16 : i32
        %mul3A_352 = arith.muli %mul3A_351, %scan3A_108 : i32
        %swap3A_353 = arith.constant 0 : i32
        %swap3A_354 = arith.constant 18 : i32
        %swap3A_355 = arith.index_cast %swap3A_353 : i32 to index
        %swap3A_356 = arith.index_cast %swap3A_354 : i32 to index
        %swap3A_357 = arith.index_cast %mul3A_352 : i32 to index
        %swap3A_358 = tpu.vector_load %arg7[%swap3A_355, %swap3A_356, %swap3A_357] {strides = array<i32>} : memref<2x64x512xf32, #tpu.memory_space<vmem>>, vector<16xf32>,
        tpu.vector_store %arg7[%swap3A_355, %swap3A_356, %swap3A_357], %gather3A_314 {strides = array<i32>} : memref<2x64x512xf32, #tpu.memory_space<vmem>>, vector<16xf32>,
        %mul3A_359 = arith.constant 16 : i32
        %mul3A_360 = arith.muli %mul3A_359, %scan3A_108 : i32
        %swap3A_361 = arith.constant 0 : i32
        %swap3A_362 = arith.constant 19 : i32
        %swap3A_363 = arith.index_cast %swap3A_361 : i32 to index
        %swap3A_364 = arith.index_cast %swap3A_362 : i32 to index
        %swap3A_365 = arith.index_cast %mul3A_360 : i32 to index
        %swap3A_366 = tpu.vector_load %arg7[%swap3A_363, %swap3A_364, %swap3A_365] {strides = array<i32>} : memref<2x64x512xf32, #tpu.memory_space<vmem>>, vector<16xf32>,
        tpu.vector_store %arg7[%swap3A_363, %swap3A_364, %swap3A_365], %gather3A_318 {strides = array<i32>} : memref<2x64x512xf32, #tpu.memory_space<vmem>>, vector<16xf32>,
        %mul3A_367 = arith.constant 16 : i32
        %mul3A_368 = arith.muli %mul3A_367, %scan3A_108 : i32
        %swap3A_369 = arith.constant 0 : i32
        %swap3A_370 = arith.constant 20 : i32
        %swap3A_371 = arith.index_cast %swap3A_369 : i32 to index
        %swap3A_372 = arith.index_cast %swap3A_370 : i32 to index
        %swap3A_373 = arith.index_cast %mul3A_368 : i32 to index
        %swap3A_374 = tpu.vector_load %arg7[%swap3A_371, %swap3A_372, %swap3A_373] {strides = array<i32>} : memref<2x64x512xf32, #tpu.memory_space<vmem>>, vector<16xf32>,
        tpu.vector_store %arg7[%swap3A_371, %swap3A_372, %swap3A_373], %gather3A_322 {strides = array<i32>} : memref<2x64x512xf32, #tpu.memory_space<vmem>>, vector<16xf32>,
        %mul3A_375 = arith.constant 16 : i32
        %mul3A_376 = arith.muli %mul3A_375, %scan3A_108 : i32
        %swap3A_377 = arith.constant 0 : i32
        %swap3A_378 = arith.constant 21 : i32
        %swap3A_379 = arith.index_cast %swap3A_377 : i32 to index
        %swap3A_380 = arith.index_cast %swap3A_378 : i32 to index
        %swap3A_381 = arith.index_cast %mul3A_376 : i32 to index
        %swap3A_382 = tpu.vector_load %arg7[%swap3A_379, %swap3A_380, %swap3A_381] {strides = array<i32>} : memref<2x64x512xf32, #tpu.memory_space<vmem>>, vector<16xf32>,
        tpu.vector_store %arg7[%swap3A_379, %swap3A_380, %swap3A_381], %gather3A_326 {strides = array<i32>} : memref<2x64x512xf32, #tpu.memory_space<vmem>>, vector<16xf32>,
        %mul3A_383 = arith.constant 16 : i32
        %mul3A_384 = arith.muli %mul3A_383, %scan3A_108 : i32
        %swap3A_385 = arith.constant 0 : i32
        %swap3A_386 = arith.constant 22 : i32
        %swap3A_387 = arith.index_cast %swap3A_385 : i32 to index
        %swap3A_388 = arith.index_cast %swap3A_386 : i32 to index
        %swap3A_389 = arith.index_cast %mul3A_384 : i32 to index
        %swap3A_390 = tpu.vector_load %arg7[%swap3A_387, %swap3A_388, %swap3A_389] {strides = array<i32>} : memref<2x64x512xf32, #tpu.memory_space<vmem>>, vector<16xf32>,
        tpu.vector_store %arg7[%swap3A_387, %swap3A_388, %swap3A_389], %gather3A_330 {strides = array<i32>} : memref<2x64x512xf32, #tpu.memory_space<vmem>>, vector<16xf32>,
        %mul3A_391 = arith.constant 16 : i32
        %mul3A_392 = arith.muli %mul3A_391, %scan3A_108 : i32
        %swap3A_393 = arith.constant 0 : i32
        %swap3A_394 = arith.constant 23 : i32
        %swap3A_395 = arith.index_cast %swap3A_393 : i32 to index
        %swap3A_396 = arith.index_cast %swap3A_394 : i32 to index
        %swap3A_397 = arith.index_cast %mul3A_392 : i32 to index
        %swap3A_398 = tpu.vector_load %arg7[%swap3A_395, %swap3A_396, %swap3A_397] {strides = array<i32>} : memref<2x64x512xf32, #tpu.memory_space<vmem>>, vector<16xf32>,
        tpu.vector_store %arg7[%swap3A_395, %swap3A_396, %swap3A_397], %gather3A_334 {strides = array<i32>} : memref<2x64x512xf32, #tpu.memory_space<vmem>>, vector<16xf32>,
        %add3A_399 = arith.constant 2496 : i32
        %add3A_400 = vector.broadcast %add3A_399 : i32 to vector<16xi32>
        %add3A_401 = arith.addi %get3A_112, %add3A_400 : vector<16xi32>
        %gather3A_402 = tpu.vector_load_idx %arg5[%add3A_401] : memref<6656xf32, #tpu.memory_space<vmem>>[vector<16xi32>], vector<16xf32>,
        %add3A_403 = arith.constant 2600 : i32
        %add3A_404 = vector.broadcast %add3A_403 : i32 to vector<16xi32>
        %add3A_405 = arith.addi %get3A_112, %add3A_404 : vector<16xi32>
        %gather3A_406 = tpu.vector_load_idx %arg5[%add3A_405] : memref<6656xf32, #tpu.memory_space<vmem>>[vector<16xi32>], vector<16xf32>,
        %add3A_407 = arith.constant 2704 : i32
        %add3A_408 = vector.broadcast %add3A_407 : i32 to vector<16xi32>
        %add3A_409 = arith.addi %get3A_112, %add3A_408 : vector<16xi32>
        %gather3A_410 = tpu.vector_load_idx %arg5[%add3A_409] : memref<6656xf32, #tpu.memory_space<vmem>>[vector<16xi32>], vector<16xf32>,
        %add3A_411 = arith.constant 2808 : i32
        %add3A_412 = vector.broadcast %add3A_411 : i32 to vector<16xi32>
        %add3A_413 = arith.addi %get3A_112, %add3A_412 : vector<16xi32>
        %gather3A_414 = tpu.vector_load_idx %arg5[%add3A_413] : memref<6656xf32, #tpu.memory_space<vmem>>[vector<16xi32>], vector<16xf32>,
        %add3A_415 = arith.constant 2912 : i32
        %add3A_416 = vector.broadcast %add3A_415 : i32 to vector<16xi32>
        %add3A_417 = arith.addi %get3A_112, %add3A_416 : vector<16xi32>
        %gather3A_418 = tpu.vector_load_idx %arg5[%add3A_417] : memref<6656xf32, #tpu.memory_space<vmem>>[vector<16xi32>], vector<16xf32>,
        %add3A_419 = arith.constant 3016 : i32
        %add3A_420 = vector.broadcast %add3A_419 : i32 to vector<16xi32>
        %add3A_421 = arith.addi %get3A_112, %add3A_420 : vector<16xi32>
        %gather3A_422 = tpu.vector_load_idx %arg5[%add3A_421] : memref<6656xf32, #tpu.memory_space<vmem>>[vector<16xi32>], vector<16xf32>,
        %add3A_423 = arith.constant 3120 : i32
        %add3A_424 = vector.broadcast %add3A_423 : i32 to vector<16xi32>
        %add3A_425 = arith.addi %get3A_112, %add3A_424 : vector<16xi32>
        %gather3A_426 = tpu.vector_load_idx %arg5[%add3A_425] : memref<6656xf32, #tpu.memory_space<vmem>>[vector<16xi32>], vector<16xf32>,
        %add3A_427 = arith.constant 3224 : i32
        %add3A_428 = vector.broadcast %add3A_427 : i32 to vector<16xi32>
        %add3A_429 = arith.addi %get3A_112, %add3A_428 : vector<16xi32>
        %gather3A_430 = tpu.vector_load_idx %arg5[%add3A_429] : memref<6656xf32, #tpu.memory_space<vmem>>[vector<16xi32>], vector<16xf32>,
        %mul3A_431 = arith.constant 16 : i32
        %mul3A_432 = arith.muli %mul3A_431, %scan3A_108 : i32
        %swap3A_433 = arith.constant 0 : i32
        %swap3A_434 = arith.constant 24 : i32
        %swap3A_435 = arith.index_cast %swap3A_433 : i32 to index
        %swap3A_436 = arith.index_cast %swap3A_434 : i32 to index
        %swap3A_437 = arith.index_cast %mul3A_432 : i32 to index
        %swap3A_438 = tpu.vector_load %arg7[%swap3A_435, %swap3A_436, %swap3A_437] {strides = array<i32>} : memref<2x64x512xf32, #tpu.memory_space<vmem>>, vector<16xf32>,
        tpu.vector_store %arg7[%swap3A_435, %swap3A_436, %swap3A_437], %gather3A_402 {strides = array<i32>} : memref<2x64x512xf32, #tpu.memory_space<vmem>>, vector<16xf32>,
        %mul3A_439 = arith.constant 16 : i32
        %mul3A_440 = arith.muli %mul3A_439, %scan3A_108 : i32
        %swap3A_441 = arith.constant 0 : i32
        %swap3A_442 = arith.constant 25 : i32
        %swap3A_443 = arith.index_cast %swap3A_441 : i32 to index
        %swap3A_444 = arith.index_cast %swap3A_442 : i32 to index
        %swap3A_445 = arith.index_cast %mul3A_440 : i32 to index
        %swap3A_446 = tpu.vector_load %arg7[%swap3A_443, %swap3A_444, %swap3A_445] {strides = array<i32>} : memref<2x64x512xf32, #tpu.memory_space<vmem>>, vector<16xf32>,
        tpu.vector_store %arg7[%swap3A_443, %swap3A_444, %swap3A_445], %gather3A_406 {strides = array<i32>} : memref<2x64x512xf32, #tpu.memory_space<vmem>>, vector<16xf32>,
        %mul3A_447 = arith.constant 16 : i32
        %mul3A_448 = arith.muli %mul3A_447, %scan3A_108 : i32
        %swap3A_449 = arith.constant 0 : i32
        %swap3A_450 = arith.constant 26 : i32
        %swap3A_451 = arith.index_cast %swap3A_449 : i32 to index
        %swap3A_452 = arith.index_cast %swap3A_450 : i32 to index
        %swap3A_453 = arith.index_cast %mul3A_448 : i32 to index
        %swap3A_454 = tpu.vector_load %arg7[%swap3A_451, %swap3A_452, %swap3A_453] {strides = array<i32>} : memref<2x64x512xf32, #tpu.memory_space<vmem>>, vector<16xf32>,
        tpu.vector_store %arg7[%swap3A_451, %swap3A_452, %swap3A_453], %gather3A_410 {strides = array<i32>} : memref<2x64x512xf32, #tpu.memory_space<vmem>>, vector<16xf32>,
        %mul3A_455 = arith.constant 16 : i32
        %mul3A_456 = arith.muli %mul3A_455, %scan3A_108 : i32
        %swap3A_457 = arith.constant 0 : i32
        %swap3A_458 = arith.constant 27 : i32
        %swap3A_459 = arith.index_cast %swap3A_457 : i32 to index
        %swap3A_460 = arith.index_cast %swap3A_458 : i32 to index
        %swap3A_461 = arith.index_cast %mul3A_456 : i32 to index
        %swap3A_462 = tpu.vector_load %arg7[%swap3A_459, %swap3A_460, %swap3A_461] {strides = array<i32>} : memref<2x64x512xf32, #tpu.memory_space<vmem>>, vector<16xf32>,
        tpu.vector_store %arg7[%swap3A_459, %swap3A_460, %swap3A_461], %gather3A_414 {strides = array<i32>} : memref<2x64x512xf32, #tpu.memory_space<vmem>>, vector<16xf32>,
        %mul3A_463 = arith.constant 16 : i32
        %mul3A_464 = arith.muli %mul3A_463, %scan3A_108 : i32
        %swap3A_465 = arith.constant 0 : i32
        %swap3A_466 = arith.constant 28 : i32
        %swap3A_467 = arith.index_cast %swap3A_465 : i32 to index
        %swap3A_468 = arith.index_cast %swap3A_466 : i32 to index
        %swap3A_469 = arith.index_cast %mul3A_464 : i32 to index
        %swap3A_470 = tpu.vector_load %arg7[%swap3A_467, %swap3A_468, %swap3A_469] {strides = array<i32>} : memref<2x64x512xf32, #tpu.memory_space<vmem>>, vector<16xf32>,
        tpu.vector_store %arg7[%swap3A_467, %swap3A_468, %swap3A_469], %gather3A_418 {strides = array<i32>} : memref<2x64x512xf32, #tpu.memory_space<vmem>>, vector<16xf32>,
        %mul3A_471 = arith.constant 16 : i32
        %mul3A_472 = arith.muli %mul3A_471, %scan3A_108 : i32
        %swap3A_473 = arith.constant 0 : i32
        %swap3A_474 = arith.constant 29 : i32
        %swap3A_475 = arith.index_cast %swap3A_473 : i32 to index
        %swap3A_476 = arith.index_cast %swap3A_474 : i32 to index
        %swap3A_477 = arith.index_cast %mul3A_472 : i32 to index
        %swap3A_478 = tpu.vector_load %arg7[%swap3A_475, %swap3A_476, %swap3A_477] {strides = array<i32>} : memref<2x64x512xf32, #tpu.memory_space<vmem>>, vector<16xf32>,
        tpu.vector_store %arg7[%swap3A_475, %swap3A_476, %swap3A_477], %gather3A_422 {strides = array<i32>} : memref<2x64x512xf32, #tpu.memory_space<vmem>>, vector<16xf32>,
        %mul3A_479 = arith.constant 16 : i32
        %mul3A_480 = arith.muli %mul3A_479, %scan3A_108 : i32
        %swap3A_481 = arith.constant 0 : i32
        %swap3A_482 = arith.constant 30 : i32
        %swap3A_483 = arith.index_cast %swap3A_481 : i32 to index
        %swap3A_484 = arith.index_cast %swap3A_482 : i32 to index
        %swap3A_485 = arith.index_cast %mul3A_480 : i32 to index
        %swap3A_486 = tpu.vector_load %arg7[%swap3A_483, %swap3A_484, %swap3A_485] {strides = array<i32>} : memref<2x64x512xf32, #tpu.memory_space<vmem>>, vector<16xf32>,
        tpu.vector_store %arg7[%swap3A_483, %swap3A_484, %swap3A_485], %gather3A_426 {strides = array<i32>} : memref<2x64x512xf32, #tpu.memory_space<vmem>>, vector<16xf32>,
        %mul3A_487 = arith.constant 16 : i32
        %mul3A_488 = arith.muli %mul3A_487, %scan3A_108 : i32
        %swap3A_489 = arith.constant 0 : i32
        %swap3A_490 = arith.constant 31 : i32
        %swap3A_491 = arith.index_cast %swap3A_489 : i32 to index
        %swap3A_492 = arith.index_cast %swap3A_490 : i32 to index
        %swap3A_493 = arith.index_cast %mul3A_488 : i32 to index
        %swap3A_494 = tpu.vector_load %arg7[%swap3A_491, %swap3A_492, %swap3A_493] {strides = array<i32>} : memref<2x64x512xf32, #tpu.memory_space<vmem>>, vector<16xf32>,
        tpu.vector_store %arg7[%swap3A_491, %swap3A_492, %swap3A_493], %gather3A_430 {strides = array<i32>} : memref<2x64x512xf32, #tpu.memory_space<vmem>>, vector<16xf32>,
        %add3A_495 = arith.constant 3328 : i32
        %add3A_496 = vector.broadcast %add3A_495 : i32 to vector<16xi32>
        %add3A_497 = arith.addi %get3A_112, %add3A_496 : vector<16xi32>
        %gather3A_498 = tpu.vector_load_idx %arg5[%add3A_497] : memref<6656xf32, #tpu.memory_space<vmem>>[vector<16xi32>], vector<16xf32>,
        %add3A_499 = arith.constant 3432 : i32
        %add3A_500 = vector.broadcast %add3A_499 : i32 to vector<16xi32>
        %add3A_501 = arith.addi %get3A_112, %add3A_500 : vector<16xi32>
        %gather3A_502 = tpu.vector_load_idx %arg5[%add3A_501] : memref<6656xf32, #tpu.memory_space<vmem>>[vector<16xi32>], vector<16xf32>,
        %add3A_503 = arith.constant 3536 : i32
        %add3A_504 = vector.broadcast %add3A_503 : i32 to vector<16xi32>
        %add3A_505 = arith.addi %get3A_112, %add3A_504 : vector<16xi32>
        %gather3A_506 = tpu.vector_load_idx %arg5[%add3A_505] : memref<6656xf32, #tpu.memory_space<vmem>>[vector<16xi32>], vector<16xf32>,
        %add3A_507 = arith.constant 3640 : i32
        %add3A_508 = vector.broadcast %add3A_507 : i32 to vector<16xi32>
        %add3A_509 = arith.addi %get3A_112, %add3A_508 : vector<16xi32>
        %gather3A_510 = tpu.vector_load_idx %arg5[%add3A_509] : memref<6656xf32, #tpu.memory_space<vmem>>[vector<16xi32>], vector<16xf32>,
        %add3A_511 = arith.constant 3744 : i32
        %add3A_512 = vector.broadcast %add3A_511 : i32 to vector<16xi32>
        %add3A_513 = arith.addi %get3A_112, %add3A_512 : vector<16xi32>
        %gather3A_514 = tpu.vector_load_idx %arg5[%add3A_513] : memref<6656xf32, #tpu.memory_space<vmem>>[vector<16xi32>], vector<16xf32>,
        %add3A_515 = arith.constant 3848 : i32
        %add3A_516 = vector.broadcast %add3A_515 : i32 to vector<16xi32>
        %add3A_517 = arith.addi %get3A_112, %add3A_516 : vector<16xi32>
        %gather3A_518 = tpu.vector_load_idx %arg5[%add3A_517] : memref<6656xf32, #tpu.memory_space<vmem>>[vector<16xi32>], vector<16xf32>,
        %add3A_519 = arith.constant 3952 : i32
        %add3A_520 = vector.broadcast %add3A_519 : i32 to vector<16xi32>
        %add3A_521 = arith.addi %get3A_112, %add3A_520 : vector<16xi32>
        %gather3A_522 = tpu.vector_load_idx %arg5[%add3A_521] : memref<6656xf32, #tpu.memory_space<vmem>>[vector<16xi32>], vector<16xf32>,
        %add3A_523 = arith.constant 4056 : i32
        %add3A_524 = vector.broadcast %add3A_523 : i32 to vector<16xi32>
        %add3A_525 = arith.addi %get3A_112, %add3A_524 : vector<16xi32>
        %gather3A_526 = tpu.vector_load_idx %arg5[%add3A_525] : memref<6656xf32, #tpu.memory_space<vmem>>[vector<16xi32>], vector<16xf32>,
        %mul3A_527 = arith.constant 16 : i32
        %mul3A_528 = arith.muli %mul3A_527, %scan3A_108 : i32
        %swap3A_529 = arith.constant 0 : i32
        %swap3A_530 = arith.constant 32 : i32
        %swap3A_531 = arith.index_cast %swap3A_529 : i32 to index
        %swap3A_532 = arith.index_cast %swap3A_530 : i32 to index
        %swap3A_533 = arith.index_cast %mul3A_528 : i32 to index
        %swap3A_534 = tpu.vector_load %arg7[%swap3A_531, %swap3A_532, %swap3A_533] {strides = array<i32>} : memref<2x64x512xf32, #tpu.memory_space<vmem>>, vector<16xf32>,
        tpu.vector_store %arg7[%swap3A_531, %swap3A_532, %swap3A_533], %gather3A_498 {strides = array<i32>} : memref<2x64x512xf32, #tpu.memory_space<vmem>>, vector<16xf32>,
        %mul3A_535 = arith.constant 16 : i32
        %mul3A_536 = arith.muli %mul3A_535, %scan3A_108 : i32
        %swap3A_537 = arith.constant 0 : i32
        %swap3A_538 = arith.constant 33 : i32
        %swap3A_539 = arith.index_cast %swap3A_537 : i32 to index
        %swap3A_540 = arith.index_cast %swap3A_538 : i32 to index
        %swap3A_541 = arith.index_cast %mul3A_536 : i32 to index
        %swap3A_542 = tpu.vector_load %arg7[%swap3A_539, %swap3A_540, %swap3A_541] {strides = array<i32>} : memref<2x64x512xf32, #tpu.memory_space<vmem>>, vector<16xf32>,
        tpu.vector_store %arg7[%swap3A_539, %swap3A_540, %swap3A_541], %gather3A_502 {strides = array<i32>} : memref<2x64x512xf32, #tpu.memory_space<vmem>>, vector<16xf32>,
        %mul3A_543 = arith.constant 16 : i32
        %mul3A_544 = arith.muli %mul3A_543, %scan3A_108 : i32
        %swap3A_545 = arith.constant 0 : i32
        %swap3A_546 = arith.constant 34 : i32
        %swap3A_547 = arith.index_cast %swap3A_545 : i32 to index
        %swap3A_548 = arith.index_cast %swap3A_546 : i32 to index
        %swap3A_549 = arith.index_cast %mul3A_544 : i32 to index
        %swap3A_550 = tpu.vector_load %arg7[%swap3A_547, %swap3A_548, %swap3A_549] {strides = array<i32>} : memref<2x64x512xf32, #tpu.memory_space<vmem>>, vector<16xf32>,
        tpu.vector_store %arg7[%swap3A_547, %swap3A_548, %swap3A_549], %gather3A_506 {strides = array<i32>} : memref<2x64x512xf32, #tpu.memory_space<vmem>>, vector<16xf32>,
        %mul3A_551 = arith.constant 16 : i32
        %mul3A_552 = arith.muli %mul3A_551, %scan3A_108 : i32
        %swap3A_553 = arith.constant 0 : i32
        %swap3A_554 = arith.constant 35 : i32
        %swap3A_555 = arith.index_cast %swap3A_553 : i32 to index
        %swap3A_556 = arith.index_cast %swap3A_554 : i32 to index
        %swap3A_557 = arith.index_cast %mul3A_552 : i32 to index
        %swap3A_558 = tpu.vector_load %arg7[%swap3A_555, %swap3A_556, %swap3A_557] {strides = array<i32>} : memref<2x64x512xf32, #tpu.memory_space<vmem>>, vector<16xf32>,
        tpu.vector_store %arg7[%swap3A_555, %swap3A_556, %swap3A_557], %gather3A_510 {strides = array<i32>} : memref<2x64x512xf32, #tpu.memory_space<vmem>>, vector<16xf32>,
        %mul3A_559 = arith.constant 16 : i32
        %mul3A_560 = arith.muli %mul3A_559, %scan3A_108 : i32
        %swap3A_561 = arith.constant 0 : i32
        %swap3A_562 = arith.constant 36 : i32
        %swap3A_563 = arith.index_cast %swap3A_561 : i32 to index
        %swap3A_564 = arith.index_cast %swap3A_562 : i32 to index
        %swap3A_565 = arith.index_cast %mul3A_560 : i32 to index
        %swap3A_566 = tpu.vector_load %arg7[%swap3A_563, %swap3A_564, %swap3A_565] {strides = array<i32>} : memref<2x64x512xf32, #tpu.memory_space<vmem>>, vector<16xf32>,
        tpu.vector_store %arg7[%swap3A_563, %swap3A_564, %swap3A_565], %gather3A_514 {strides = array<i32>} : memref<2x64x512xf32, #tpu.memory_space<vmem>>, vector<16xf32>,
        %mul3A_567 = arith.constant 16 : i32
        %mul3A_568 = arith.muli %mul3A_567, %scan3A_108 : i32
        %swap3A_569 = arith.constant 0 : i32
        %swap3A_570 = arith.constant 37 : i32
        %swap3A_571 = arith.index_cast %swap3A_569 : i32 to index
        %swap3A_572 = arith.index_cast %swap3A_570 : i32 to index
        %swap3A_573 = arith.index_cast %mul3A_568 : i32 to index
        %swap3A_574 = tpu.vector_load %arg7[%swap3A_571, %swap3A_572, %swap3A_573] {strides = array<i32>} : memref<2x64x512xf32, #tpu.memory_space<vmem>>, vector<16xf32>,
        tpu.vector_store %arg7[%swap3A_571, %swap3A_572, %swap3A_573], %gather3A_518 {strides = array<i32>} : memref<2x64x512xf32, #tpu.memory_space<vmem>>, vector<16xf32>,
        %mul3A_575 = arith.constant 16 : i32
        %mul3A_576 = arith.muli %mul3A_575, %scan3A_108 : i32
        %swap3A_577 = arith.constant 0 : i32
        %swap3A_578 = arith.constant 38 : i32
        %swap3A_579 = arith.index_cast %swap3A_577 : i32 to index
        %swap3A_580 = arith.index_cast %swap3A_578 : i32 to index
        %swap3A_581 = arith.index_cast %mul3A_576 : i32 to index
        %swap3A_582 = tpu.vector_load %arg7[%swap3A_579, %swap3A_580, %swap3A_581] {strides = array<i32>} : memref<2x64x512xf32, #tpu.memory_space<vmem>>, vector<16xf32>,
        tpu.vector_store %arg7[%swap3A_579, %swap3A_580, %swap3A_581], %gather3A_522 {strides = array<i32>} : memref<2x64x512xf32, #tpu.memory_space<vmem>>, vector<16xf32>,
        %mul3A_583 = arith.constant 16 : i32
        %mul3A_584 = arith.muli %mul3A_583, %scan3A_108 : i32
        %swap3A_585 = arith.constant 0 : i32
        %swap3A_586 = arith.constant 39 : i32
        %swap3A_587 = arith.index_cast %swap3A_585 : i32 to index
        %swap3A_588 = arith.index_cast %swap3A_586 : i32 to index
        %swap3A_589 = arith.index_cast %mul3A_584 : i32 to index
        %swap3A_590 = tpu.vector_load %arg7[%swap3A_587, %swap3A_588, %swap3A_589] {strides = array<i32>} : memref<2x64x512xf32, #tpu.memory_space<vmem>>, vector<16xf32>,
        tpu.vector_store %arg7[%swap3A_587, %swap3A_588, %swap3A_589], %gather3A_526 {strides = array<i32>} : memref<2x64x512xf32, #tpu.memory_space<vmem>>, vector<16xf32>,
        %add3A_591 = arith.constant 4160 : i32
        %add3A_592 = vector.broadcast %add3A_591 : i32 to vector<16xi32>
        %add3A_593 = arith.addi %get3A_112, %add3A_592 : vector<16xi32>
        %gather3A_594 = tpu.vector_load_idx %arg5[%add3A_593] : memref<6656xf32, #tpu.memory_space<vmem>>[vector<16xi32>], vector<16xf32>,
        %add3A_595 = arith.constant 4264 : i32
        %add3A_596 = vector.broadcast %add3A_595 : i32 to vector<16xi32>
        %add3A_597 = arith.addi %get3A_112, %add3A_596 : vector<16xi32>
        %gather3A_598 = tpu.vector_load_idx %arg5[%add3A_597] : memref<6656xf32, #tpu.memory_space<vmem>>[vector<16xi32>], vector<16xf32>,
        %add3A_599 = arith.constant 4368 : i32
        %add3A_600 = vector.broadcast %add3A_599 : i32 to vector<16xi32>
        %add3A_601 = arith.addi %get3A_112, %add3A_600 : vector<16xi32>
        %gather3A_602 = tpu.vector_load_idx %arg5[%add3A_601] : memref<6656xf32, #tpu.memory_space<vmem>>[vector<16xi32>], vector<16xf32>,
        %add3A_603 = arith.constant 4472 : i32
        %add3A_604 = vector.broadcast %add3A_603 : i32 to vector<16xi32>
        %add3A_605 = arith.addi %get3A_112, %add3A_604 : vector<16xi32>
        %gather3A_606 = tpu.vector_load_idx %arg5[%add3A_605] : memref<6656xf32, #tpu.memory_space<vmem>>[vector<16xi32>], vector<16xf32>,
        %add3A_607 = arith.constant 4576 : i32
        %add3A_608 = vector.broadcast %add3A_607 : i32 to vector<16xi32>
        %add3A_609 = arith.addi %get3A_112, %add3A_608 : vector<16xi32>
        %gather3A_610 = tpu.vector_load_idx %arg5[%add3A_609] : memref<6656xf32, #tpu.memory_space<vmem>>[vector<16xi32>], vector<16xf32>,
        %add3A_611 = arith.constant 4680 : i32
        %add3A_612 = vector.broadcast %add3A_611 : i32 to vector<16xi32>
        %add3A_613 = arith.addi %get3A_112, %add3A_612 : vector<16xi32>
        %gather3A_614 = tpu.vector_load_idx %arg5[%add3A_613] : memref<6656xf32, #tpu.memory_space<vmem>>[vector<16xi32>], vector<16xf32>,
        %add3A_615 = arith.constant 4784 : i32
        %add3A_616 = vector.broadcast %add3A_615 : i32 to vector<16xi32>
        %add3A_617 = arith.addi %get3A_112, %add3A_616 : vector<16xi32>
        %gather3A_618 = tpu.vector_load_idx %arg5[%add3A_617] : memref<6656xf32, #tpu.memory_space<vmem>>[vector<16xi32>], vector<16xf32>,
        %add3A_619 = arith.constant 4888 : i32
        %add3A_620 = vector.broadcast %add3A_619 : i32 to vector<16xi32>
        %add3A_621 = arith.addi %get3A_112, %add3A_620 : vector<16xi32>
        %gather3A_622 = tpu.vector_load_idx %arg5[%add3A_621] : memref<6656xf32, #tpu.memory_space<vmem>>[vector<16xi32>], vector<16xf32>,
        %mul3A_623 = arith.constant 16 : i32
        %mul3A_624 = arith.muli %mul3A_623, %scan3A_108 : i32
        %swap3A_625 = arith.constant 0 : i32
        %swap3A_626 = arith.constant 40 : i32
        %swap3A_627 = arith.index_cast %swap3A_625 : i32 to index
        %swap3A_628 = arith.index_cast %swap3A_626 : i32 to index
        %swap3A_629 = arith.index_cast %mul3A_624 : i32 to index
        %swap3A_630 = tpu.vector_load %arg7[%swap3A_627, %swap3A_628, %swap3A_629] {strides = array<i32>} : memref<2x64x512xf32, #tpu.memory_space<vmem>>, vector<16xf32>,
        tpu.vector_store %arg7[%swap3A_627, %swap3A_628, %swap3A_629], %gather3A_594 {strides = array<i32>} : memref<2x64x512xf32, #tpu.memory_space<vmem>>, vector<16xf32>,
        %mul3A_631 = arith.constant 16 : i32
        %mul3A_632 = arith.muli %mul3A_631, %scan3A_108 : i32
        %swap3A_633 = arith.constant 0 : i32
        %swap3A_634 = arith.constant 41 : i32
        %swap3A_635 = arith.index_cast %swap3A_633 : i32 to index
        %swap3A_636 = arith.index_cast %swap3A_634 : i32 to index
        %swap3A_637 = arith.index_cast %mul3A_632 : i32 to index
        %swap3A_638 = tpu.vector_load %arg7[%swap3A_635, %swap3A_636, %swap3A_637] {strides = array<i32>} : memref<2x64x512xf32, #tpu.memory_space<vmem>>, vector<16xf32>,
        tpu.vector_store %arg7[%swap3A_635, %swap3A_636, %swap3A_637], %gather3A_598 {strides = array<i32>} : memref<2x64x512xf32, #tpu.memory_space<vmem>>, vector<16xf32>,
        %mul3A_639 = arith.constant 16 : i32
        %mul3A_640 = arith.muli %mul3A_639, %scan3A_108 : i32
        %swap3A_641 = arith.constant 0 : i32
        %swap3A_642 = arith.constant 42 : i32
        %swap3A_643 = arith.index_cast %swap3A_641 : i32 to index
        %swap3A_644 = arith.index_cast %swap3A_642 : i32 to index
        %swap3A_645 = arith.index_cast %mul3A_640 : i32 to index
        %swap3A_646 = tpu.vector_load %arg7[%swap3A_643, %swap3A_644, %swap3A_645] {strides = array<i32>} : memref<2x64x512xf32, #tpu.memory_space<vmem>>, vector<16xf32>,
        tpu.vector_store %arg7[%swap3A_643, %swap3A_644, %swap3A_645], %gather3A_602 {strides = array<i32>} : memref<2x64x512xf32, #tpu.memory_space<vmem>>, vector<16xf32>,
        %mul3A_647 = arith.constant 16 : i32
        %mul3A_648 = arith.muli %mul3A_647, %scan3A_108 : i32
        %swap3A_649 = arith.constant 0 : i32
        %swap3A_650 = arith.constant 43 : i32
        %swap3A_651 = arith.index_cast %swap3A_649 : i32 to index
        %swap3A_652 = arith.index_cast %swap3A_650 : i32 to index
        %swap3A_653 = arith.index_cast %mul3A_648 : i32 to index
        %swap3A_654 = tpu.vector_load %arg7[%swap3A_651, %swap3A_652, %swap3A_653] {strides = array<i32>} : memref<2x64x512xf32, #tpu.memory_space<vmem>>, vector<16xf32>,
        tpu.vector_store %arg7[%swap3A_651, %swap3A_652, %swap3A_653], %gather3A_606 {strides = array<i32>} : memref<2x64x512xf32, #tpu.memory_space<vmem>>, vector<16xf32>,
        %mul3A_655 = arith.constant 16 : i32
        %mul3A_656 = arith.muli %mul3A_655, %scan3A_108 : i32
        %swap3A_657 = arith.constant 0 : i32
        %swap3A_658 = arith.constant 44 : i32
        %swap3A_659 = arith.index_cast %swap3A_657 : i32 to index
        %swap3A_660 = arith.index_cast %swap3A_658 : i32 to index
        %swap3A_661 = arith.index_cast %mul3A_656 : i32 to index
        %swap3A_662 = tpu.vector_load %arg7[%swap3A_659, %swap3A_660, %swap3A_661] {strides = array<i32>} : memref<2x64x512xf32, #tpu.memory_space<vmem>>, vector<16xf32>,
        tpu.vector_store %arg7[%swap3A_659, %swap3A_660, %swap3A_661], %gather3A_610 {strides = array<i32>} : memref<2x64x512xf32, #tpu.memory_space<vmem>>, vector<16xf32>,
        %mul3A_663 = arith.constant 16 : i32
        %mul3A_664 = arith.muli %mul3A_663, %scan3A_108 : i32
        %swap3A_665 = arith.constant 0 : i32
        %swap3A_666 = arith.constant 45 : i32
        %swap3A_667 = arith.index_cast %swap3A_665 : i32 to index
        %swap3A_668 = arith.index_cast %swap3A_666 : i32 to index
        %swap3A_669 = arith.index_cast %mul3A_664 : i32 to index
        %swap3A_670 = tpu.vector_load %arg7[%swap3A_667, %swap3A_668, %swap3A_669] {strides = array<i32>} : memref<2x64x512xf32, #tpu.memory_space<vmem>>, vector<16xf32>,
        tpu.vector_store %arg7[%swap3A_667, %swap3A_668, %swap3A_669], %gather3A_614 {strides = array<i32>} : memref<2x64x512xf32, #tpu.memory_space<vmem>>, vector<16xf32>,
        %mul3A_671 = arith.constant 16 : i32
        %mul3A_672 = arith.muli %mul3A_671, %scan3A_108 : i32
        %swap3A_673 = arith.constant 0 : i32
        %swap3A_674 = arith.constant 46 : i32
        %swap3A_675 = arith.index_cast %swap3A_673 : i32 to index
        %swap3A_676 = arith.index_cast %swap3A_674 : i32 to index
        %swap3A_677 = arith.index_cast %mul3A_672 : i32 to index
        %swap3A_678 = tpu.vector_load %arg7[%swap3A_675, %swap3A_676, %swap3A_677] {strides = array<i32>} : memref<2x64x512xf32, #tpu.memory_space<vmem>>, vector<16xf32>,
        tpu.vector_store %arg7[%swap3A_675, %swap3A_676, %swap3A_677], %gather3A_618 {strides = array<i32>} : memref<2x64x512xf32, #tpu.memory_space<vmem>>, vector<16xf32>,
        %mul3A_679 = arith.constant 16 : i32
        %mul3A_680 = arith.muli %mul3A_679, %scan3A_108 : i32
        %swap3A_681 = arith.constant 0 : i32
        %swap3A_682 = arith.constant 47 : i32
        %swap3A_683 = arith.index_cast %swap3A_681 : i32 to index
        %swap3A_684 = arith.index_cast %swap3A_682 : i32 to index
        %swap3A_685 = arith.index_cast %mul3A_680 : i32 to index
        %swap3A_686 = tpu.vector_load %arg7[%swap3A_683, %swap3A_684, %swap3A_685] {strides = array<i32>} : memref<2x64x512xf32, #tpu.memory_space<vmem>>, vector<16xf32>,
        tpu.vector_store %arg7[%swap3A_683, %swap3A_684, %swap3A_685], %gather3A_622 {strides = array<i32>} : memref<2x64x512xf32, #tpu.memory_space<vmem>>, vector<16xf32>,
        %add3A_687 = arith.constant 4992 : i32
        %add3A_688 = vector.broadcast %add3A_687 : i32 to vector<16xi32>
        %add3A_689 = arith.addi %get3A_112, %add3A_688 : vector<16xi32>
        %gather3A_690 = tpu.vector_load_idx %arg5[%add3A_689] : memref<6656xf32, #tpu.memory_space<vmem>>[vector<16xi32>], vector<16xf32>,
        %add3A_691 = arith.constant 5096 : i32
        %add3A_692 = vector.broadcast %add3A_691 : i32 to vector<16xi32>
        %add3A_693 = arith.addi %get3A_112, %add3A_692 : vector<16xi32>
        %gather3A_694 = tpu.vector_load_idx %arg5[%add3A_693] : memref<6656xf32, #tpu.memory_space<vmem>>[vector<16xi32>], vector<16xf32>,
        %add3A_695 = arith.constant 5200 : i32
        %add3A_696 = vector.broadcast %add3A_695 : i32 to vector<16xi32>
        %add3A_697 = arith.addi %get3A_112, %add3A_696 : vector<16xi32>
        %gather3A_698 = tpu.vector_load_idx %arg5[%add3A_697] : memref<6656xf32, #tpu.memory_space<vmem>>[vector<16xi32>], vector<16xf32>,
        %add3A_699 = arith.constant 5304 : i32
        %add3A_700 = vector.broadcast %add3A_699 : i32 to vector<16xi32>
        %add3A_701 = arith.addi %get3A_112, %add3A_700 : vector<16xi32>
        %gather3A_702 = tpu.vector_load_idx %arg5[%add3A_701] : memref<6656xf32, #tpu.memory_space<vmem>>[vector<16xi32>], vector<16xf32>,
        %add3A_703 = arith.constant 5408 : i32
        %add3A_704 = vector.broadcast %add3A_703 : i32 to vector<16xi32>
        %add3A_705 = arith.addi %get3A_112, %add3A_704 : vector<16xi32>
        %gather3A_706 = tpu.vector_load_idx %arg5[%add3A_705] : memref<6656xf32, #tpu.memory_space<vmem>>[vector<16xi32>], vector<16xf32>,
        %add3A_707 = arith.constant 5512 : i32
        %add3A_708 = vector.broadcast %add3A_707 : i32 to vector<16xi32>
        %add3A_709 = arith.addi %get3A_112, %add3A_708 : vector<16xi32>
        %gather3A_710 = tpu.vector_load_idx %arg5[%add3A_709] : memref<6656xf32, #tpu.memory_space<vmem>>[vector<16xi32>], vector<16xf32>,
        %add3A_711 = arith.constant 5616 : i32
        %add3A_712 = vector.broadcast %add3A_711 : i32 to vector<16xi32>
        %add3A_713 = arith.addi %get3A_112, %add3A_712 : vector<16xi32>
        %gather3A_714 = tpu.vector_load_idx %arg5[%add3A_713] : memref<6656xf32, #tpu.memory_space<vmem>>[vector<16xi32>], vector<16xf32>,
        %add3A_715 = arith.constant 5720 : i32
        %add3A_716 = vector.broadcast %add3A_715 : i32 to vector<16xi32>
        %add3A_717 = arith.addi %get3A_112, %add3A_716 : vector<16xi32>
        %gather3A_718 = tpu.vector_load_idx %arg5[%add3A_717] : memref<6656xf32, #tpu.memory_space<vmem>>[vector<16xi32>], vector<16xf32>,
        %mul3A_719 = arith.constant 16 : i32
        %mul3A_720 = arith.muli %mul3A_719, %scan3A_108 : i32
        %swap3A_721 = arith.constant 0 : i32
        %swap3A_722 = arith.constant 48 : i32
        %swap3A_723 = arith.index_cast %swap3A_721 : i32 to index
        %swap3A_724 = arith.index_cast %swap3A_722 : i32 to index
        %swap3A_725 = arith.index_cast %mul3A_720 : i32 to index
        %swap3A_726 = tpu.vector_load %arg7[%swap3A_723, %swap3A_724, %swap3A_725] {strides = array<i32>} : memref<2x64x512xf32, #tpu.memory_space<vmem>>, vector<16xf32>,
        tpu.vector_store %arg7[%swap3A_723, %swap3A_724, %swap3A_725], %gather3A_690 {strides = array<i32>} : memref<2x64x512xf32, #tpu.memory_space<vmem>>, vector<16xf32>,
        %mul3A_727 = arith.constant 16 : i32
        %mul3A_728 = arith.muli %mul3A_727, %scan3A_108 : i32
        %swap3A_729 = arith.constant 0 : i32
        %swap3A_730 = arith.constant 49 : i32
        %swap3A_731 = arith.index_cast %swap3A_729 : i32 to index
        %swap3A_732 = arith.index_cast %swap3A_730 : i32 to index
        %swap3A_733 = arith.index_cast %mul3A_728 : i32 to index
        %swap3A_734 = tpu.vector_load %arg7[%swap3A_731, %swap3A_732, %swap3A_733] {strides = array<i32>} : memref<2x64x512xf32, #tpu.memory_space<vmem>>, vector<16xf32>,
        tpu.vector_store %arg7[%swap3A_731, %swap3A_732, %swap3A_733], %gather3A_694 {strides = array<i32>} : memref<2x64x512xf32, #tpu.memory_space<vmem>>, vector<16xf32>,
        %mul3A_735 = arith.constant 16 : i32
        %mul3A_736 = arith.muli %mul3A_735, %scan3A_108 : i32
        %swap3A_737 = arith.constant 0 : i32
        %swap3A_738 = arith.constant 50 : i32
        %swap3A_739 = arith.index_cast %swap3A_737 : i32 to index
        %swap3A_740 = arith.index_cast %swap3A_738 : i32 to index
        %swap3A_741 = arith.index_cast %mul3A_736 : i32 to index
        %swap3A_742 = tpu.vector_load %arg7[%swap3A_739, %swap3A_740, %swap3A_741] {strides = array<i32>} : memref<2x64x512xf32, #tpu.memory_space<vmem>>, vector<16xf32>,
        tpu.vector_store %arg7[%swap3A_739, %swap3A_740, %swap3A_741], %gather3A_698 {strides = array<i32>} : memref<2x64x512xf32, #tpu.memory_space<vmem>>, vector<16xf32>,
        %mul3A_743 = arith.constant 16 : i32
        %mul3A_744 = arith.muli %mul3A_743, %scan3A_108 : i32
        %swap3A_745 = arith.constant 0 : i32
        %swap3A_746 = arith.constant 51 : i32
        %swap3A_747 = arith.index_cast %swap3A_745 : i32 to index
        %swap3A_748 = arith.index_cast %swap3A_746 : i32 to index
        %swap3A_749 = arith.index_cast %mul3A_744 : i32 to index
        %swap3A_750 = tpu.vector_load %arg7[%swap3A_747, %swap3A_748, %swap3A_749] {strides = array<i32>} : memref<2x64x512xf32, #tpu.memory_space<vmem>>, vector<16xf32>,
        tpu.vector_store %arg7[%swap3A_747, %swap3A_748, %swap3A_749], %gather3A_702 {strides = array<i32>} : memref<2x64x512xf32, #tpu.memory_space<vmem>>, vector<16xf32>,
        %mul3A_751 = arith.constant 16 : i32
        %mul3A_752 = arith.muli %mul3A_751, %scan3A_108 : i32
        %swap3A_753 = arith.constant 0 : i32
        %swap3A_754 = arith.constant 52 : i32
        %swap3A_755 = arith.index_cast %swap3A_753 : i32 to index
        %swap3A_756 = arith.index_cast %swap3A_754 : i32 to index
        %swap3A_757 = arith.index_cast %mul3A_752 : i32 to index
        %swap3A_758 = tpu.vector_load %arg7[%swap3A_755, %swap3A_756, %swap3A_757] {strides = array<i32>} : memref<2x64x512xf32, #tpu.memory_space<vmem>>, vector<16xf32>,
        tpu.vector_store %arg7[%swap3A_755, %swap3A_756, %swap3A_757], %gather3A_706 {strides = array<i32>} : memref<2x64x512xf32, #tpu.memory_space<vmem>>, vector<16xf32>,
        %mul3A_759 = arith.constant 16 : i32
        %mul3A_760 = arith.muli %mul3A_759, %scan3A_108 : i32
        %swap3A_761 = arith.constant 0 : i32
        %swap3A_762 = arith.constant 53 : i32
        %swap3A_763 = arith.index_cast %swap3A_761 : i32 to index
        %swap3A_764 = arith.index_cast %swap3A_762 : i32 to index
        %swap3A_765 = arith.index_cast %mul3A_760 : i32 to index
        %swap3A_766 = tpu.vector_load %arg7[%swap3A_763, %swap3A_764, %swap3A_765] {strides = array<i32>} : memref<2x64x512xf32, #tpu.memory_space<vmem>>, vector<16xf32>,
        tpu.vector_store %arg7[%swap3A_763, %swap3A_764, %swap3A_765], %gather3A_710 {strides = array<i32>} : memref<2x64x512xf32, #tpu.memory_space<vmem>>, vector<16xf32>,
        %mul3A_767 = arith.constant 16 : i32
        %mul3A_768 = arith.muli %mul3A_767, %scan3A_108 : i32
        %swap3A_769 = arith.constant 0 : i32
        %swap3A_770 = arith.constant 54 : i32
        %swap3A_771 = arith.index_cast %swap3A_769 : i32 to index
        %swap3A_772 = arith.index_cast %swap3A_770 : i32 to index
        %swap3A_773 = arith.index_cast %mul3A_768 : i32 to index
        %swap3A_774 = tpu.vector_load %arg7[%swap3A_771, %swap3A_772, %swap3A_773] {strides = array<i32>} : memref<2x64x512xf32, #tpu.memory_space<vmem>>, vector<16xf32>,
        tpu.vector_store %arg7[%swap3A_771, %swap3A_772, %swap3A_773], %gather3A_714 {strides = array<i32>} : memref<2x64x512xf32, #tpu.memory_space<vmem>>, vector<16xf32>,
        %mul3A_775 = arith.constant 16 : i32
        %mul3A_776 = arith.muli %mul3A_775, %scan3A_108 : i32
        %swap3A_777 = arith.constant 0 : i32
        %swap3A_778 = arith.constant 55 : i32
        %swap3A_779 = arith.index_cast %swap3A_777 : i32 to index
        %swap3A_780 = arith.index_cast %swap3A_778 : i32 to index
        %swap3A_781 = arith.index_cast %mul3A_776 : i32 to index
        %swap3A_782 = tpu.vector_load %arg7[%swap3A_779, %swap3A_780, %swap3A_781] {strides = array<i32>} : memref<2x64x512xf32, #tpu.memory_space<vmem>>, vector<16xf32>,
        tpu.vector_store %arg7[%swap3A_779, %swap3A_780, %swap3A_781], %gather3A_718 {strides = array<i32>} : memref<2x64x512xf32, #tpu.memory_space<vmem>>, vector<16xf32>,
        %add3A_783 = arith.constant 5824 : i32
        %add3A_784 = vector.broadcast %add3A_783 : i32 to vector<16xi32>
        %add3A_785 = arith.addi %get3A_112, %add3A_784 : vector<16xi32>
        %gather3A_786 = tpu.vector_load_idx %arg5[%add3A_785] : memref<6656xf32, #tpu.memory_space<vmem>>[vector<16xi32>], vector<16xf32>,
        %add3A_787 = arith.constant 5928 : i32
        %add3A_788 = vector.broadcast %add3A_787 : i32 to vector<16xi32>
        %add3A_789 = arith.addi %get3A_112, %add3A_788 : vector<16xi32>
        %gather3A_790 = tpu.vector_load_idx %arg5[%add3A_789] : memref<6656xf32, #tpu.memory_space<vmem>>[vector<16xi32>], vector<16xf32>,
        %add3A_791 = arith.constant 6032 : i32
        %add3A_792 = vector.broadcast %add3A_791 : i32 to vector<16xi32>
        %add3A_793 = arith.addi %get3A_112, %add3A_792 : vector<16xi32>
        %gather3A_794 = tpu.vector_load_idx %arg5[%add3A_793] : memref<6656xf32, #tpu.memory_space<vmem>>[vector<16xi32>], vector<16xf32>,
        %add3A_795 = arith.constant 6136 : i32
        %add3A_796 = vector.broadcast %add3A_795 : i32 to vector<16xi32>
        %add3A_797 = arith.addi %get3A_112, %add3A_796 : vector<16xi32>
        %gather3A_798 = tpu.vector_load_idx %arg5[%add3A_797] : memref<6656xf32, #tpu.memory_space<vmem>>[vector<16xi32>], vector<16xf32>,
        %add3A_799 = arith.constant 6240 : i32
        %add3A_800 = vector.broadcast %add3A_799 : i32 to vector<16xi32>
        %add3A_801 = arith.addi %get3A_112, %add3A_800 : vector<16xi32>
        %gather3A_802 = tpu.vector_load_idx %arg5[%add3A_801] : memref<6656xf32, #tpu.memory_space<vmem>>[vector<16xi32>], vector<16xf32>,
        %add3A_803 = arith.constant 6344 : i32
        %add3A_804 = vector.broadcast %add3A_803 : i32 to vector<16xi32>
        %add3A_805 = arith.addi %get3A_112, %add3A_804 : vector<16xi32>
        %gather3A_806 = tpu.vector_load_idx %arg5[%add3A_805] : memref<6656xf32, #tpu.memory_space<vmem>>[vector<16xi32>], vector<16xf32>,
        %add3A_807 = arith.constant 6448 : i32
        %add3A_808 = vector.broadcast %add3A_807 : i32 to vector<16xi32>
        %add3A_809 = arith.addi %get3A_112, %add3A_808 : vector<16xi32>
        %gather3A_810 = tpu.vector_load_idx %arg5[%add3A_809] : memref<6656xf32, #tpu.memory_space<vmem>>[vector<16xi32>], vector<16xf32>,
        %add3A_811 = arith.constant 6552 : i32
        %add3A_812 = vector.broadcast %add3A_811 : i32 to vector<16xi32>
        %add3A_813 = arith.addi %get3A_112, %add3A_812 : vector<16xi32>
        %gather3A_814 = tpu.vector_load_idx %arg5[%add3A_813] : memref<6656xf32, #tpu.memory_space<vmem>>[vector<16xi32>], vector<16xf32>,
        %mul3A_815 = arith.constant 16 : i32
        %mul3A_816 = arith.muli %mul3A_815, %scan3A_108 : i32
        %swap3A_817 = arith.constant 0 : i32
        %swap3A_818 = arith.constant 56 : i32
        %swap3A_819 = arith.index_cast %swap3A_817 : i32 to index
        %swap3A_820 = arith.index_cast %swap3A_818 : i32 to index
        %swap3A_821 = arith.index_cast %mul3A_816 : i32 to index
        %swap3A_822 = tpu.vector_load %arg7[%swap3A_819, %swap3A_820, %swap3A_821] {strides = array<i32>} : memref<2x64x512xf32, #tpu.memory_space<vmem>>, vector<16xf32>,
        tpu.vector_store %arg7[%swap3A_819, %swap3A_820, %swap3A_821], %gather3A_786 {strides = array<i32>} : memref<2x64x512xf32, #tpu.memory_space<vmem>>, vector<16xf32>,
        %mul3A_823 = arith.constant 16 : i32
        %mul3A_824 = arith.muli %mul3A_823, %scan3A_108 : i32
        %swap3A_825 = arith.constant 0 : i32
        %swap3A_826 = arith.constant 57 : i32
        %swap3A_827 = arith.index_cast %swap3A_825 : i32 to index
        %swap3A_828 = arith.index_cast %swap3A_826 : i32 to index
        %swap3A_829 = arith.index_cast %mul3A_824 : i32 to index
        %swap3A_830 = tpu.vector_load %arg7[%swap3A_827, %swap3A_828, %swap3A_829] {strides = array<i32>} : memref<2x64x512xf32, #tpu.memory_space<vmem>>, vector<16xf32>,
        tpu.vector_store %arg7[%swap3A_827, %swap3A_828, %swap3A_829], %gather3A_790 {strides = array<i32>} : memref<2x64x512xf32, #tpu.memory_space<vmem>>, vector<16xf32>,
        %mul3A_831 = arith.constant 16 : i32
        %mul3A_832 = arith.muli %mul3A_831, %scan3A_108 : i32
        %swap3A_833 = arith.constant 0 : i32
        %swap3A_834 = arith.constant 58 : i32
        %swap3A_835 = arith.index_cast %swap3A_833 : i32 to index
        %swap3A_836 = arith.index_cast %swap3A_834 : i32 to index
        %swap3A_837 = arith.index_cast %mul3A_832 : i32 to index
        %swap3A_838 = tpu.vector_load %arg7[%swap3A_835, %swap3A_836, %swap3A_837] {strides = array<i32>} : memref<2x64x512xf32, #tpu.memory_space<vmem>>, vector<16xf32>,
        tpu.vector_store %arg7[%swap3A_835, %swap3A_836, %swap3A_837], %gather3A_794 {strides = array<i32>} : memref<2x64x512xf32, #tpu.memory_space<vmem>>, vector<16xf32>,
        %mul3A_839 = arith.constant 16 : i32
        %mul3A_840 = arith.muli %mul3A_839, %scan3A_108 : i32
        %swap3A_841 = arith.constant 0 : i32
        %swap3A_842 = arith.constant 59 : i32
        %swap3A_843 = arith.index_cast %swap3A_841 : i32 to index
        %swap3A_844 = arith.index_cast %swap3A_842 : i32 to index
        %swap3A_845 = arith.index_cast %mul3A_840 : i32 to index
        %swap3A_846 = tpu.vector_load %arg7[%swap3A_843, %swap3A_844, %swap3A_845] {strides = array<i32>} : memref<2x64x512xf32, #tpu.memory_space<vmem>>, vector<16xf32>,
        tpu.vector_store %arg7[%swap3A_843, %swap3A_844, %swap3A_845], %gather3A_798 {strides = array<i32>} : memref<2x64x512xf32, #tpu.memory_space<vmem>>, vector<16xf32>,
        %mul3A_847 = arith.constant 16 : i32
        %mul3A_848 = arith.muli %mul3A_847, %scan3A_108 : i32
        %swap3A_849 = arith.constant 0 : i32
        %swap3A_850 = arith.constant 60 : i32
        %swap3A_851 = arith.index_cast %swap3A_849 : i32 to index
        %swap3A_852 = arith.index_cast %swap3A_850 : i32 to index
        %swap3A_853 = arith.index_cast %mul3A_848 : i32 to index
        %swap3A_854 = tpu.vector_load %arg7[%swap3A_851, %swap3A_852, %swap3A_853] {strides = array<i32>} : memref<2x64x512xf32, #tpu.memory_space<vmem>>, vector<16xf32>,
        tpu.vector_store %arg7[%swap3A_851, %swap3A_852, %swap3A_853], %gather3A_802 {strides = array<i32>} : memref<2x64x512xf32, #tpu.memory_space<vmem>>, vector<16xf32>,
        %mul3A_855 = arith.constant 16 : i32
        %mul3A_856 = arith.muli %mul3A_855, %scan3A_108 : i32
        %swap3A_857 = arith.constant 0 : i32
        %swap3A_858 = arith.constant 61 : i32
        %swap3A_859 = arith.index_cast %swap3A_857 : i32 to index
        %swap3A_860 = arith.index_cast %swap3A_858 : i32 to index
        %swap3A_861 = arith.index_cast %mul3A_856 : i32 to index
        %swap3A_862 = tpu.vector_load %arg7[%swap3A_859, %swap3A_860, %swap3A_861] {strides = array<i32>} : memref<2x64x512xf32, #tpu.memory_space<vmem>>, vector<16xf32>,
        tpu.vector_store %arg7[%swap3A_859, %swap3A_860, %swap3A_861], %gather3A_806 {strides = array<i32>} : memref<2x64x512xf32, #tpu.memory_space<vmem>>, vector<16xf32>,
        %mul3A_863 = arith.constant 16 : i32
        %mul3A_864 = arith.muli %mul3A_863, %scan3A_108 : i32
        %swap3A_865 = arith.constant 0 : i32
        %swap3A_866 = arith.constant 62 : i32
        %swap3A_867 = arith.index_cast %swap3A_865 : i32 to index
        %swap3A_868 = arith.index_cast %swap3A_866 : i32 to index
        %swap3A_869 = arith.index_cast %mul3A_864 : i32 to index
        %swap3A_870 = tpu.vector_load %arg7[%swap3A_867, %swap3A_868, %swap3A_869] {strides = array<i32>} : memref<2x64x512xf32, #tpu.memory_space<vmem>>, vector<16xf32>,
        tpu.vector_store %arg7[%swap3A_867, %swap3A_868, %swap3A_869], %gather3A_810 {strides = array<i32>} : memref<2x64x512xf32, #tpu.memory_space<vmem>>, vector<16xf32>,
        %mul3A_871 = arith.constant 16 : i32
        %mul3A_872 = arith.muli %mul3A_871, %scan3A_108 : i32
        %swap3A_873 = arith.constant 0 : i32
        %swap3A_874 = arith.constant 63 : i32
        %swap3A_875 = arith.index_cast %swap3A_873 : i32 to index
        %swap3A_876 = arith.index_cast %swap3A_874 : i32 to index
        %swap3A_877 = arith.index_cast %mul3A_872 : i32 to index
        %swap3A_878 = tpu.vector_load %arg7[%swap3A_875, %swap3A_876, %swap3A_877] {strides = array<i32>} : memref<2x64x512xf32, #tpu.memory_space<vmem>>, vector<16xf32>,
        tpu.vector_store %arg7[%swap3A_875, %swap3A_876, %swap3A_877], %gather3A_814 {strides = array<i32>} : memref<2x64x512xf32, #tpu.memory_space<vmem>>, vector<16xf32>,
      }
      %scan3A_57 = arith.constant 32 : i32
      %dma_start3A = arith.constant 0 : i32
      %dma_start3A_58 = arith.constant 0 : i32
      %dma_start3A_59 = arith.constant 0 : i32
      %dma_start3A_60 = arith.constant 0 : i32
      %dma_start3A_61 = tpu.memref_slice %arg7[%dma_start3A, %dma_start3A_59, %dma_start3A_60] : memref<2x64x512xf32, #tpu.memory_space<vmem>> -> memref<1x64x512xf32, #tpu.memory_space<vmem>>
      %dma_start3A_62 = tpu.memref_squeeze %dma_start3A_61 : memref<1x64x512xf32, #tpu.memory_space<vmem>> -> memref<64x512xf32, #tpu.memory_space<vmem>>
      %dma_start3A_63 = arith.constant 0 : i32
      %dma_start3A_64 = tpu.memref_slice %arg4[%add3A_49, %dma_start3A_63, %mul3A_2] : memref<50x64x16384xf32, #tpu.memory_space<hbm>> -> memref<1x64x512xf32, #tpu.memory_space<hbm>>
      %dma_start3A_65 = tpu.memref_squeeze %dma_start3A_64 : memref<1x64x512xf32, #tpu.memory_space<hbm>> -> memref<64x512xf32, #tpu.memory_space<hbm>>
      %dma_start3A_66 = tpu.memref_slice %arg8[%dma_start3A_58] : memref<2x!tpu.dma_semaphore, #tpu.memory_space<semaphore_mem>> -> memref<1x!tpu.dma_semaphore, #tpu.memory_space<semaphore_mem>>
      %dma_start3A_67 = tpu.memref_squeeze %dma_start3A_66 : memref<1x!tpu.dma_semaphore, #tpu.memory_space<semaphore_mem>> -> memref<!tpu.dma_semaphore, #tpu.memory_space<semaphore_mem>>
      %dma_start3A_68 = arith.constant 0 : i32
      %dma_start3A_69 = tpu.memref_slice %arg4[%add3A_49, %dma_start3A_68, %mul3A_2] : memref<50x64x16384xf32, #tpu.memory_space<hbm>> -> memref<1x64x512xf32, #tpu.memory_space<hbm>>
      %dma_start3A_70 = tpu.memref_squeeze %dma_start3A_69 : memref<1x64x512xf32, #tpu.memory_space<hbm>> -> memref<64x512xf32, #tpu.memory_space<hbm>>
      %dma_start3A_71 = arith.constant 0 : i32
      %dma_start3A_72 = arith.constant 0 : i32
      %dma_start3A_73 = tpu.memref_slice %arg7[%dma_start3A, %dma_start3A_71, %dma_start3A_72] : memref<2x64x512xf32, #tpu.memory_space<vmem>> -> memref<1x64x512xf32, #tpu.memory_space<vmem>>
      %dma_start3A_74 = tpu.memref_squeeze %dma_start3A_73 : memref<1x64x512xf32, #tpu.memory_space<vmem>> -> memref<64x512xf32, #tpu.memory_space<vmem>>
      tpu.enqueue_dma source(%dma_start3A_74 : memref<64x512xf32, #tpu.memory_space<vmem>>) target(%dma_start3A_70 : memref<64x512xf32, #tpu.memory_space<hbm>>) target_semaphore(%dma_start3A_67 : memref<!tpu.dma_semaphore, #tpu.memory_space<semaphore_mem>>)
      %mul3A_75 = arith.constant 2 : i32
      %mul3A_76 = arith.muli %mul3A_75, %scan3A_45 : i32
      %add3A_77 = arith.constant 1 : i32
      %add3A_78 = arith.addi %mul3A_76, %add3A_77 : i32
      %gt3A_79 = arith.constant 0 : i32
      %gt3A_80 = arith.cmpi sgt, %scan3A_45, %gt3A_79 : i32
      %convert_element_type3A_81 = arith.extui %gt3A_80 : i1 to i32
      %cond3A_82 = arith.constant 0 : i32
      %cond3A_83 = arith.cmpi ne, %convert_element_type3A_81, %cond3A_82 : i32
      scf.if %cond3A_83 {
        %dma_wait3A_108 = arith.constant 1 : i32
        %dma_wait3A_109 = arith.constant 1 : i32
        %dma_wait3A_110 = arith.constant 0 : i32
        %dma_wait3A_111 = arith.constant 0 : i32
        %dma_wait3A_112 = tpu.memref_slice %arg7[%dma_wait3A_108, %dma_wait3A_110, %dma_wait3A_111] : memref<2x64x512xf32, #tpu.memory_space<vmem>> -> memref<1x64x512xf32, #tpu.memory_space<vmem>>
        %dma_wait3A_113 = tpu.memref_squeeze %dma_wait3A_112 : memref<1x64x512xf32, #tpu.memory_space<vmem>> -> memref<64x512xf32, #tpu.memory_space<vmem>>
        %dma_wait3A_114 = arith.constant 0 : i32
        %dma_wait3A_115 = tpu.memref_slice %arg4[%add3A_78, %dma_wait3A_114, %mul3A_2] : memref<50x64x16384xf32, #tpu.memory_space<hbm>> -> memref<1x64x512xf32, #tpu.memory_space<hbm>>
        %dma_wait3A_116 = tpu.memref_squeeze %dma_wait3A_115 : memref<1x64x512xf32, #tpu.memory_space<hbm>> -> memref<64x512xf32, #tpu.memory_space<hbm>>
        %dma_wait3A_117 = tpu.memref_slice %arg8[%dma_wait3A_109] : memref<2x!tpu.dma_semaphore, #tpu.memory_space<semaphore_mem>> -> memref<1x!tpu.dma_semaphore, #tpu.memory_space<semaphore_mem>>
        %dma_wait3A_118 = tpu.memref_squeeze %dma_wait3A_117 : memref<1x!tpu.dma_semaphore, #tpu.memory_space<semaphore_mem>> -> memref<!tpu.dma_semaphore, #tpu.memory_space<semaphore_mem>>
        %dma_wait3A_119 = arith.constant 0 : i32
        %dma_wait3A_120 = tpu.memref_slice %arg4[%add3A_78, %dma_wait3A_119, %mul3A_2] : memref<50x64x16384xf32, #tpu.memory_space<hbm>> -> memref<1x64x512xf32, #tpu.memory_space<hbm>>
        %dma_wait3A_121 = tpu.memref_squeeze %dma_wait3A_120 : memref<1x64x512xf32, #tpu.memory_space<hbm>> -> memref<64x512xf32, #tpu.memory_space<hbm>>
        %dma_wait3A_122 = arith.constant 0 : i32
        %dma_wait3A_123 = arith.constant 0 : i32
        %dma_wait3A_124 = tpu.memref_slice %arg7[%dma_wait3A_108, %dma_wait3A_122, %dma_wait3A_123] : memref<2x64x512xf32, #tpu.memory_space<vmem>> -> memref<1x64x512xf32, #tpu.memory_space<vmem>>
        %dma_wait3A_125 = tpu.memref_squeeze %dma_wait3A_124 : memref<1x64x512xf32, #tpu.memory_space<vmem>> -> memref<64x512xf32, #tpu.memory_space<vmem>>
        tpu.wait_dma2 semaphore(%dma_wait3A_118 : memref<!tpu.dma_semaphore, #tpu.memory_space<semaphore_mem>>) src(%dma_wait3A_125 : memref<64x512xf32, #tpu.memory_space<vmem>>) dst(%dma_wait3A_121 : memref<64x512xf32, #tpu.memory_space<hbm>>)
      } else {
      }
      %scan3A_84 = arith.constant 0 : i32
      %scan3A_85 = arith.constant 0 : i32
      %scan3A_86 = arith.constant 32 : i32
      %scan3A_87 = arith.addi %scan3A_85, %scan3A_86 : i32
      %scan3A_88 = arith.constant 1 : i32
      scf.for %scan3A_108 = %scan3A_85 to %scan3A_87 step %scan3A_88  : i32 {
        %mul3A_109 = arith.constant 16 : i32
        %mul3A_110 = arith.muli %mul3A_109, %scan3A_108 : i32
        %get3A = arith.index_cast %add3A_78 : i32 to index
        %get3A_111 = arith.index_cast %mul3A_110 : i32 to index
        %get3A_112 = tpu.vector_load %arg6[%get3A, %get3A_111] {strides = array<i32>} : memref<64x512xi32, #tpu.memory_space<vmem>>, vector<16xi32>,
        %add3A_113 = arith.constant 0 : i32
        %add3A_114 = vector.broadcast %add3A_113 : i32 to vector<16xi32>
        %add3A_115 = arith.addi %get3A_112, %add3A_114 : vector<16xi32>
        %gather3A = tpu.vector_load_idx %arg5[%add3A_115] : memref<6656xf32, #tpu.memory_space<vmem>>[vector<16xi32>], vector<16xf32>,
        %add3A_116 = arith.constant 104 : i32
        %add3A_117 = vector.broadcast %add3A_116 : i32 to vector<16xi32>
        %add3A_118 = arith.addi %get3A_112, %add3A_117 : vector<16xi32>
        %gather3A_119 = tpu.vector_load_idx %arg5[%add3A_118] : memref<6656xf32, #tpu.memory_space<vmem>>[vector<16xi32>], vector<16xf32>,
        %add3A_120 = arith.constant 208 : i32
        %add3A_121 = vector.broadcast %add3A_120 : i32 to vector<16xi32>
        %add3A_122 = arith.addi %get3A_112, %add3A_121 : vector<16xi32>
        %gather3A_123 = tpu.vector_load_idx %arg5[%add3A_122] : memref<6656xf32, #tpu.memory_space<vmem>>[vector<16xi32>], vector<16xf32>,
        %add3A_124 = arith.constant 312 : i32
        %add3A_125 = vector.broadcast %add3A_124 : i32 to vector<16xi32>
        %add3A_126 = arith.addi %get3A_112, %add3A_125 : vector<16xi32>
        %gather3A_127 = tpu.vector_load_idx %arg5[%add3A_126] : memref<6656xf32, #tpu.memory_space<vmem>>[vector<16xi32>], vector<16xf32>,
        %add3A_128 = arith.constant 416 : i32
        %add3A_129 = vector.broadcast %add3A_128 : i32 to vector<16xi32>
        %add3A_130 = arith.addi %get3A_112, %add3A_129 : vector<16xi32>
        %gather3A_131 = tpu.vector_load_idx %arg5[%add3A_130] : memref<6656xf32, #tpu.memory_space<vmem>>[vector<16xi32>], vector<16xf32>,
        %add3A_132 = arith.constant 520 : i32
        %add3A_133 = vector.broadcast %add3A_132 : i32 to vector<16xi32>
        %add3A_134 = arith.addi %get3A_112, %add3A_133 : vector<16xi32>
        %gather3A_135 = tpu.vector_load_idx %arg5[%add3A_134] : memref<6656xf32, #tpu.memory_space<vmem>>[vector<16xi32>], vector<16xf32>,
        %add3A_136 = arith.constant 624 : i32
        %add3A_137 = vector.broadcast %add3A_136 : i32 to vector<16xi32>
        %add3A_138 = arith.addi %get3A_112, %add3A_137 : vector<16xi32>
        %gather3A_139 = tpu.vector_load_idx %arg5[%add3A_138] : memref<6656xf32, #tpu.memory_space<vmem>>[vector<16xi32>], vector<16xf32>,
        %add3A_140 = arith.constant 728 : i32
        %add3A_141 = vector.broadcast %add3A_140 : i32 to vector<16xi32>
        %add3A_142 = arith.addi %get3A_112, %add3A_141 : vector<16xi32>
        %gather3A_143 = tpu.vector_load_idx %arg5[%add3A_142] : memref<6656xf32, #tpu.memory_space<vmem>>[vector<16xi32>], vector<16xf32>,
        %mul3A_144 = arith.constant 16 : i32
        %mul3A_145 = arith.muli %mul3A_144, %scan3A_108 : i32
        %swap3A = arith.constant 1 : i32
        %swap3A_146 = arith.constant 0 : i32
        %swap3A_147 = arith.index_cast %swap3A : i32 to index
        %swap3A_148 = arith.index_cast %swap3A_146 : i32 to index
        %swap3A_149 = arith.index_cast %mul3A_145 : i32 to index
        %swap3A_150 = tpu.vector_load %arg7[%swap3A_147, %swap3A_148, %swap3A_149] {strides = array<i32>} : memref<2x64x512xf32, #tpu.memory_space<vmem>>, vector<16xf32>,
        tpu.vector_store %arg7[%swap3A_147, %swap3A_148, %swap3A_149], %gather3A {strides = array<i32>} : memref<2x64x512xf32, #tpu.memory_space<vmem>>, vector<16xf32>,
        %mul3A_151 = arith.constant 16 : i32
        %mul3A_152 = arith.muli %mul3A_151, %scan3A_108 : i32
        %swap3A_153 = arith.constant 1 : i32
        %swap3A_154 = arith.constant 1 : i32
        %swap3A_155 = arith.index_cast %swap3A_153 : i32 to index
        %swap3A_156 = arith.index_cast %swap3A_154 : i32 to index
        %swap3A_157 = arith.index_cast %mul3A_152 : i32 to index
        %swap3A_158 = tpu.vector_load %arg7[%swap3A_155, %swap3A_156, %swap3A_157] {strides = array<i32>} : memref<2x64x512xf32, #tpu.memory_space<vmem>>, vector<16xf32>,
        tpu.vector_store %arg7[%swap3A_155, %swap3A_156, %swap3A_157], %gather3A_119 {strides = array<i32>} : memref<2x64x512xf32, #tpu.memory_space<vmem>>, vector<16xf32>,
        %mul3A_159 = arith.constant 16 : i32
        %mul3A_160 = arith.muli %mul3A_159, %scan3A_108 : i32
        %swap3A_161 = arith.constant 1 : i32
        %swap3A_162 = arith.constant 2 : i32
        %swap3A_163 = arith.index_cast %swap3A_161 : i32 to index
        %swap3A_164 = arith.index_cast %swap3A_162 : i32 to index
        %swap3A_165 = arith.index_cast %mul3A_160 : i32 to index
        %swap3A_166 = tpu.vector_load %arg7[%swap3A_163, %swap3A_164, %swap3A_165] {strides = array<i32>} : memref<2x64x512xf32, #tpu.memory_space<vmem>>, vector<16xf32>,
        tpu.vector_store %arg7[%swap3A_163, %swap3A_164, %swap3A_165], %gather3A_123 {strides = array<i32>} : memref<2x64x512xf32, #tpu.memory_space<vmem>>, vector<16xf32>,
        %mul3A_167 = arith.constant 16 : i32
        %mul3A_168 = arith.muli %mul3A_167, %scan3A_108 : i32
        %swap3A_169 = arith.constant 1 : i32
        %swap3A_170 = arith.constant 3 : i32
        %swap3A_171 = arith.index_cast %swap3A_169 : i32 to index
        %swap3A_172 = arith.index_cast %swap3A_170 : i32 to index
        %swap3A_173 = arith.index_cast %mul3A_168 : i32 to index
        %swap3A_174 = tpu.vector_load %arg7[%swap3A_171, %swap3A_172, %swap3A_173] {strides = array<i32>} : memref<2x64x512xf32, #tpu.memory_space<vmem>>, vector<16xf32>,
        tpu.vector_store %arg7[%swap3A_171, %swap3A_172, %swap3A_173], %gather3A_127 {strides = array<i32>} : memref<2x64x512xf32, #tpu.memory_space<vmem>>, vector<16xf32>,
        %mul3A_175 = arith.constant 16 : i32
        %mul3A_176 = arith.muli %mul3A_175, %scan3A_108 : i32
        %swap3A_177 = arith.constant 1 : i32
        %swap3A_178 = arith.constant 4 : i32
        %swap3A_179 = arith.index_cast %swap3A_177 : i32 to index
        %swap3A_180 = arith.index_cast %swap3A_178 : i32 to index
        %swap3A_181 = arith.index_cast %mul3A_176 : i32 to index
        %swap3A_182 = tpu.vector_load %arg7[%swap3A_179, %swap3A_180, %swap3A_181] {strides = array<i32>} : memref<2x64x512xf32, #tpu.memory_space<vmem>>, vector<16xf32>,
        tpu.vector_store %arg7[%swap3A_179, %swap3A_180, %swap3A_181], %gather3A_131 {strides = array<i32>} : memref<2x64x512xf32, #tpu.memory_space<vmem>>, vector<16xf32>,
        %mul3A_183 = arith.constant 16 : i32
        %mul3A_184 = arith.muli %mul3A_183, %scan3A_108 : i32
        %swap3A_185 = arith.constant 1 : i32
        %swap3A_186 = arith.constant 5 : i32
        %swap3A_187 = arith.index_cast %swap3A_185 : i32 to index
        %swap3A_188 = arith.index_cast %swap3A_186 : i32 to index
        %swap3A_189 = arith.index_cast %mul3A_184 : i32 to index
        %swap3A_190 = tpu.vector_load %arg7[%swap3A_187, %swap3A_188, %swap3A_189] {strides = array<i32>} : memref<2x64x512xf32, #tpu.memory_space<vmem>>, vector<16xf32>,
        tpu.vector_store %arg7[%swap3A_187, %swap3A_188, %swap3A_189], %gather3A_135 {strides = array<i32>} : memref<2x64x512xf32, #tpu.memory_space<vmem>>, vector<16xf32>,
        %mul3A_191 = arith.constant 16 : i32
        %mul3A_192 = arith.muli %mul3A_191, %scan3A_108 : i32
        %swap3A_193 = arith.constant 1 : i32
        %swap3A_194 = arith.constant 6 : i32
        %swap3A_195 = arith.index_cast %swap3A_193 : i32 to index
        %swap3A_196 = arith.index_cast %swap3A_194 : i32 to index
        %swap3A_197 = arith.index_cast %mul3A_192 : i32 to index
        %swap3A_198 = tpu.vector_load %arg7[%swap3A_195, %swap3A_196, %swap3A_197] {strides = array<i32>} : memref<2x64x512xf32, #tpu.memory_space<vmem>>, vector<16xf32>,
        tpu.vector_store %arg7[%swap3A_195, %swap3A_196, %swap3A_197], %gather3A_139 {strides = array<i32>} : memref<2x64x512xf32, #tpu.memory_space<vmem>>, vector<16xf32>,
        %mul3A_199 = arith.constant 16 : i32
        %mul3A_200 = arith.muli %mul3A_199, %scan3A_108 : i32
        %swap3A_201 = arith.constant 1 : i32
        %swap3A_202 = arith.constant 7 : i32
        %swap3A_203 = arith.index_cast %swap3A_201 : i32 to index
        %swap3A_204 = arith.index_cast %swap3A_202 : i32 to index
        %swap3A_205 = arith.index_cast %mul3A_200 : i32 to index
        %swap3A_206 = tpu.vector_load %arg7[%swap3A_203, %swap3A_204, %swap3A_205] {strides = array<i32>} : memref<2x64x512xf32, #tpu.memory_space<vmem>>, vector<16xf32>,
        tpu.vector_store %arg7[%swap3A_203, %swap3A_204, %swap3A_205], %gather3A_143 {strides = array<i32>} : memref<2x64x512xf32, #tpu.memory_space<vmem>>, vector<16xf32>,
        %add3A_207 = arith.constant 832 : i32
        %add3A_208 = vector.broadcast %add3A_207 : i32 to vector<16xi32>
        %add3A_209 = arith.addi %get3A_112, %add3A_208 : vector<16xi32>
        %gather3A_210 = tpu.vector_load_idx %arg5[%add3A_209] : memref<6656xf32, #tpu.memory_space<vmem>>[vector<16xi32>], vector<16xf32>,
        %add3A_211 = arith.constant 936 : i32
        %add3A_212 = vector.broadcast %add3A_211 : i32 to vector<16xi32>
        %add3A_213 = arith.addi %get3A_112, %add3A_212 : vector<16xi32>
        %gather3A_214 = tpu.vector_load_idx %arg5[%add3A_213] : memref<6656xf32, #tpu.memory_space<vmem>>[vector<16xi32>], vector<16xf32>,
        %add3A_215 = arith.constant 1040 : i32
        %add3A_216 = vector.broadcast %add3A_215 : i32 to vector<16xi32>
        %add3A_217 = arith.addi %get3A_112, %add3A_216 : vector<16xi32>
        %gather3A_218 = tpu.vector_load_idx %arg5[%add3A_217] : memref<6656xf32, #tpu.memory_space<vmem>>[vector<16xi32>], vector<16xf32>,
        %add3A_219 = arith.constant 1144 : i32
        %add3A_220 = vector.broadcast %add3A_219 : i32 to vector<16xi32>
        %add3A_221 = arith.addi %get3A_112, %add3A_220 : vector<16xi32>
        %gather3A_222 = tpu.vector_load_idx %arg5[%add3A_221] : memref<6656xf32, #tpu.memory_space<vmem>>[vector<16xi32>], vector<16xf32>,
        %add3A_223 = arith.constant 1248 : i32
        %add3A_224 = vector.broadcast %add3A_223 : i32 to vector<16xi32>
        %add3A_225 = arith.addi %get3A_112, %add3A_224 : vector<16xi32>
        %gather3A_226 = tpu.vector_load_idx %arg5[%add3A_225] : memref<6656xf32, #tpu.memory_space<vmem>>[vector<16xi32>], vector<16xf32>,
        %add3A_227 = arith.constant 1352 : i32
        %add3A_228 = vector.broadcast %add3A_227 : i32 to vector<16xi32>
        %add3A_229 = arith.addi %get3A_112, %add3A_228 : vector<16xi32>
        %gather3A_230 = tpu.vector_load_idx %arg5[%add3A_229] : memref<6656xf32, #tpu.memory_space<vmem>>[vector<16xi32>], vector<16xf32>,
        %add3A_231 = arith.constant 1456 : i32
        %add3A_232 = vector.broadcast %add3A_231 : i32 to vector<16xi32>
        %add3A_233 = arith.addi %get3A_112, %add3A_232 : vector<16xi32>
        %gather3A_234 = tpu.vector_load_idx %arg5[%add3A_233] : memref<6656xf32, #tpu.memory_space<vmem>>[vector<16xi32>], vector<16xf32>,
        %add3A_235 = arith.constant 1560 : i32
        %add3A_236 = vector.broadcast %add3A_235 : i32 to vector<16xi32>
        %add3A_237 = arith.addi %get3A_112, %add3A_236 : vector<16xi32>
        %gather3A_238 = tpu.vector_load_idx %arg5[%add3A_237] : memref<6656xf32, #tpu.memory_space<vmem>>[vector<16xi32>], vector<16xf32>,
        %mul3A_239 = arith.constant 16 : i32
        %mul3A_240 = arith.muli %mul3A_239, %scan3A_108 : i32
        %swap3A_241 = arith.constant 1 : i32
        %swap3A_242 = arith.constant 8 : i32
        %swap3A_243 = arith.index_cast %swap3A_241 : i32 to index
        %swap3A_244 = arith.index_cast %swap3A_242 : i32 to index
        %swap3A_245 = arith.index_cast %mul3A_240 : i32 to index
        %swap3A_246 = tpu.vector_load %arg7[%swap3A_243, %swap3A_244, %swap3A_245] {strides = array<i32>} : memref<2x64x512xf32, #tpu.memory_space<vmem>>, vector<16xf32>,
        tpu.vector_store %arg7[%swap3A_243, %swap3A_244, %swap3A_245], %gather3A_210 {strides = array<i32>} : memref<2x64x512xf32, #tpu.memory_space<vmem>>, vector<16xf32>,
        %mul3A_247 = arith.constant 16 : i32
        %mul3A_248 = arith.muli %mul3A_247, %scan3A_108 : i32
        %swap3A_249 = arith.constant 1 : i32
        %swap3A_250 = arith.constant 9 : i32
        %swap3A_251 = arith.index_cast %swap3A_249 : i32 to index
        %swap3A_252 = arith.index_cast %swap3A_250 : i32 to index
        %swap3A_253 = arith.index_cast %mul3A_248 : i32 to index
        %swap3A_254 = tpu.vector_load %arg7[%swap3A_251, %swap3A_252, %swap3A_253] {strides = array<i32>} : memref<2x64x512xf32, #tpu.memory_space<vmem>>, vector<16xf32>,
        tpu.vector_store %arg7[%swap3A_251, %swap3A_252, %swap3A_253], %gather3A_214 {strides = array<i32>} : memref<2x64x512xf32, #tpu.memory_space<vmem>>, vector<16xf32>,
        %mul3A_255 = arith.constant 16 : i32
        %mul3A_256 = arith.muli %mul3A_255, %scan3A_108 : i32
        %swap3A_257 = arith.constant 1 : i32
        %swap3A_258 = arith.constant 10 : i32
        %swap3A_259 = arith.index_cast %swap3A_257 : i32 to index
        %swap3A_260 = arith.index_cast %swap3A_258 : i32 to index
        %swap3A_261 = arith.index_cast %mul3A_256 : i32 to index
        %swap3A_262 = tpu.vector_load %arg7[%swap3A_259, %swap3A_260, %swap3A_261] {strides = array<i32>} : memref<2x64x512xf32, #tpu.memory_space<vmem>>, vector<16xf32>,
        tpu.vector_store %arg7[%swap3A_259, %swap3A_260, %swap3A_261], %gather3A_218 {strides = array<i32>} : memref<2x64x512xf32, #tpu.memory_space<vmem>>, vector<16xf32>,
        %mul3A_263 = arith.constant 16 : i32
        %mul3A_264 = arith.muli %mul3A_263, %scan3A_108 : i32
        %swap3A_265 = arith.constant 1 : i32
        %swap3A_266 = arith.constant 11 : i32
        %swap3A_267 = arith.index_cast %swap3A_265 : i32 to index
        %swap3A_268 = arith.index_cast %swap3A_266 : i32 to index
        %swap3A_269 = arith.index_cast %mul3A_264 : i32 to index
        %swap3A_270 = tpu.vector_load %arg7[%swap3A_267, %swap3A_268, %swap3A_269] {strides = array<i32>} : memref<2x64x512xf32, #tpu.memory_space<vmem>>, vector<16xf32>,
        tpu.vector_store %arg7[%swap3A_267, %swap3A_268, %swap3A_269], %gather3A_222 {strides = array<i32>} : memref<2x64x512xf32, #tpu.memory_space<vmem>>, vector<16xf32>,
        %mul3A_271 = arith.constant 16 : i32
        %mul3A_272 = arith.muli %mul3A_271, %scan3A_108 : i32
        %swap3A_273 = arith.constant 1 : i32
        %swap3A_274 = arith.constant 12 : i32
        %swap3A_275 = arith.index_cast %swap3A_273 : i32 to index
        %swap3A_276 = arith.index_cast %swap3A_274 : i32 to index
        %swap3A_277 = arith.index_cast %mul3A_272 : i32 to index
        %swap3A_278 = tpu.vector_load %arg7[%swap3A_275, %swap3A_276, %swap3A_277] {strides = array<i32>} : memref<2x64x512xf32, #tpu.memory_space<vmem>>, vector<16xf32>,
        tpu.vector_store %arg7[%swap3A_275, %swap3A_276, %swap3A_277], %gather3A_226 {strides = array<i32>} : memref<2x64x512xf32, #tpu.memory_space<vmem>>, vector<16xf32>,
        %mul3A_279 = arith.constant 16 : i32
        %mul3A_280 = arith.muli %mul3A_279, %scan3A_108 : i32
        %swap3A_281 = arith.constant 1 : i32
        %swap3A_282 = arith.constant 13 : i32
        %swap3A_283 = arith.index_cast %swap3A_281 : i32 to index
        %swap3A_284 = arith.index_cast %swap3A_282 : i32 to index
        %swap3A_285 = arith.index_cast %mul3A_280 : i32 to index
        %swap3A_286 = tpu.vector_load %arg7[%swap3A_283, %swap3A_284, %swap3A_285] {strides = array<i32>} : memref<2x64x512xf32, #tpu.memory_space<vmem>>, vector<16xf32>,
        tpu.vector_store %arg7[%swap3A_283, %swap3A_284, %swap3A_285], %gather3A_230 {strides = array<i32>} : memref<2x64x512xf32, #tpu.memory_space<vmem>>, vector<16xf32>,
        %mul3A_287 = arith.constant 16 : i32
        %mul3A_288 = arith.muli %mul3A_287, %scan3A_108 : i32
        %swap3A_289 = arith.constant 1 : i32
        %swap3A_290 = arith.constant 14 : i32
        %swap3A_291 = arith.index_cast %swap3A_289 : i32 to index
        %swap3A_292 = arith.index_cast %swap3A_290 : i32 to index
        %swap3A_293 = arith.index_cast %mul3A_288 : i32 to index
        %swap3A_294 = tpu.vector_load %arg7[%swap3A_291, %swap3A_292, %swap3A_293] {strides = array<i32>} : memref<2x64x512xf32, #tpu.memory_space<vmem>>, vector<16xf32>,
        tpu.vector_store %arg7[%swap3A_291, %swap3A_292, %swap3A_293], %gather3A_234 {strides = array<i32>} : memref<2x64x512xf32, #tpu.memory_space<vmem>>, vector<16xf32>,
        %mul3A_295 = arith.constant 16 : i32
        %mul3A_296 = arith.muli %mul3A_295, %scan3A_108 : i32
        %swap3A_297 = arith.constant 1 : i32
        %swap3A_298 = arith.constant 15 : i32
        %swap3A_299 = arith.index_cast %swap3A_297 : i32 to index
        %swap3A_300 = arith.index_cast %swap3A_298 : i32 to index
        %swap3A_301 = arith.index_cast %mul3A_296 : i32 to index
        %swap3A_302 = tpu.vector_load %arg7[%swap3A_299, %swap3A_300, %swap3A_301] {strides = array<i32>} : memref<2x64x512xf32, #tpu.memory_space<vmem>>, vector<16xf32>,
        tpu.vector_store %arg7[%swap3A_299, %swap3A_300, %swap3A_301], %gather3A_238 {strides = array<i32>} : memref<2x64x512xf32, #tpu.memory_space<vmem>>, vector<16xf32>,
        %add3A_303 = arith.constant 1664 : i32
        %add3A_304 = vector.broadcast %add3A_303 : i32 to vector<16xi32>
        %add3A_305 = arith.addi %get3A_112, %add3A_304 : vector<16xi32>
        %gather3A_306 = tpu.vector_load_idx %arg5[%add3A_305] : memref<6656xf32, #tpu.memory_space<vmem>>[vector<16xi32>], vector<16xf32>,
        %add3A_307 = arith.constant 1768 : i32
        %add3A_308 = vector.broadcast %add3A_307 : i32 to vector<16xi32>
        %add3A_309 = arith.addi %get3A_112, %add3A_308 : vector<16xi32>
        %gather3A_310 = tpu.vector_load_idx %arg5[%add3A_309] : memref<6656xf32, #tpu.memory_space<vmem>>[vector<16xi32>], vector<16xf32>,
        %add3A_311 = arith.constant 1872 : i32
        %add3A_312 = vector.broadcast %add3A_311 : i32 to vector<16xi32>
        %add3A_313 = arith.addi %get3A_112, %add3A_312 : vector<16xi32>
        %gather3A_314 = tpu.vector_load_idx %arg5[%add3A_313] : memref<6656xf32, #tpu.memory_space<vmem>>[vector<16xi32>], vector<16xf32>,
        %add3A_315 = arith.constant 1976 : i32
        %add3A_316 = vector.broadcast %add3A_315 : i32 to vector<16xi32>
        %add3A_317 = arith.addi %get3A_112, %add3A_316 : vector<16xi32>
        %gather3A_318 = tpu.vector_load_idx %arg5[%add3A_317] : memref<6656xf32, #tpu.memory_space<vmem>>[vector<16xi32>], vector<16xf32>,
        %add3A_319 = arith.constant 2080 : i32
        %add3A_320 = vector.broadcast %add3A_319 : i32 to vector<16xi32>
        %add3A_321 = arith.addi %get3A_112, %add3A_320 : vector<16xi32>
        %gather3A_322 = tpu.vector_load_idx %arg5[%add3A_321] : memref<6656xf32, #tpu.memory_space<vmem>>[vector<16xi32>], vector<16xf32>,
        %add3A_323 = arith.constant 2184 : i32
        %add3A_324 = vector.broadcast %add3A_323 : i32 to vector<16xi32>
        %add3A_325 = arith.addi %get3A_112, %add3A_324 : vector<16xi32>
        %gather3A_326 = tpu.vector_load_idx %arg5[%add3A_325] : memref<6656xf32, #tpu.memory_space<vmem>>[vector<16xi32>], vector<16xf32>,
        %add3A_327 = arith.constant 2288 : i32
        %add3A_328 = vector.broadcast %add3A_327 : i32 to vector<16xi32>
        %add3A_329 = arith.addi %get3A_112, %add3A_328 : vector<16xi32>
        %gather3A_330 = tpu.vector_load_idx %arg5[%add3A_329] : memref<6656xf32, #tpu.memory_space<vmem>>[vector<16xi32>], vector<16xf32>,
        %add3A_331 = arith.constant 2392 : i32
        %add3A_332 = vector.broadcast %add3A_331 : i32 to vector<16xi32>
        %add3A_333 = arith.addi %get3A_112, %add3A_332 : vector<16xi32>
        %gather3A_334 = tpu.vector_load_idx %arg5[%add3A_333] : memref<6656xf32, #tpu.memory_space<vmem>>[vector<16xi32>], vector<16xf32>,
        %mul3A_335 = arith.constant 16 : i32
        %mul3A_336 = arith.muli %mul3A_335, %scan3A_108 : i32
        %swap3A_337 = arith.constant 1 : i32
        %swap3A_338 = arith.constant 16 : i32
        %swap3A_339 = arith.index_cast %swap3A_337 : i32 to index
        %swap3A_340 = arith.index_cast %swap3A_338 : i32 to index
        %swap3A_341 = arith.index_cast %mul3A_336 : i32 to index
        %swap3A_342 = tpu.vector_load %arg7[%swap3A_339, %swap3A_340, %swap3A_341] {strides = array<i32>} : memref<2x64x512xf32, #tpu.memory_space<vmem>>, vector<16xf32>,
        tpu.vector_store %arg7[%swap3A_339, %swap3A_340, %swap3A_341], %gather3A_306 {strides = array<i32>} : memref<2x64x512xf32, #tpu.memory_space<vmem>>, vector<16xf32>,
        %mul3A_343 = arith.constant 16 : i32
        %mul3A_344 = arith.muli %mul3A_343, %scan3A_108 : i32
        %swap3A_345 = arith.constant 1 : i32
        %swap3A_346 = arith.constant 17 : i32
        %swap3A_347 = arith.index_cast %swap3A_345 : i32 to index
        %swap3A_348 = arith.index_cast %swap3A_346 : i32 to index
        %swap3A_349 = arith.index_cast %mul3A_344 : i32 to index
        %swap3A_350 = tpu.vector_load %arg7[%swap3A_347, %swap3A_348, %swap3A_349] {strides = array<i32>} : memref<2x64x512xf32, #tpu.memory_space<vmem>>, vector<16xf32>,
        tpu.vector_store %arg7[%swap3A_347, %swap3A_348, %swap3A_349], %gather3A_310 {strides = array<i32>} : memref<2x64x512xf32, #tpu.memory_space<vmem>>, vector<16xf32>,
        %mul3A_351 = arith.constant 16 : i32
        %mul3A_352 = arith.muli %mul3A_351, %scan3A_108 : i32
        %swap3A_353 = arith.constant 1 : i32
        %swap3A_354 = arith.constant 18 : i32
        %swap3A_355 = arith.index_cast %swap3A_353 : i32 to index
        %swap3A_356 = arith.index_cast %swap3A_354 : i32 to index
        %swap3A_357 = arith.index_cast %mul3A_352 : i32 to index
        %swap3A_358 = tpu.vector_load %arg7[%swap3A_355, %swap3A_356, %swap3A_357] {strides = array<i32>} : memref<2x64x512xf32, #tpu.memory_space<vmem>>, vector<16xf32>,
        tpu.vector_store %arg7[%swap3A_355, %swap3A_356, %swap3A_357], %gather3A_314 {strides = array<i32>} : memref<2x64x512xf32, #tpu.memory_space<vmem>>, vector<16xf32>,
        %mul3A_359 = arith.constant 16 : i32
        %mul3A_360 = arith.muli %mul3A_359, %scan3A_108 : i32
        %swap3A_361 = arith.constant 1 : i32
        %swap3A_362 = arith.constant 19 : i32
        %swap3A_363 = arith.index_cast %swap3A_361 : i32 to index
        %swap3A_364 = arith.index_cast %swap3A_362 : i32 to index
        %swap3A_365 = arith.index_cast %mul3A_360 : i32 to index
        %swap3A_366 = tpu.vector_load %arg7[%swap3A_363, %swap3A_364, %swap3A_365] {strides = array<i32>} : memref<2x64x512xf32, #tpu.memory_space<vmem>>, vector<16xf32>,
        tpu.vector_store %arg7[%swap3A_363, %swap3A_364, %swap3A_365], %gather3A_318 {strides = array<i32>} : memref<2x64x512xf32, #tpu.memory_space<vmem>>, vector<16xf32>,
        %mul3A_367 = arith.constant 16 : i32
        %mul3A_368 = arith.muli %mul3A_367, %scan3A_108 : i32
        %swap3A_369 = arith.constant 1 : i32
        %swap3A_370 = arith.constant 20 : i32
        %swap3A_371 = arith.index_cast %swap3A_369 : i32 to index
        %swap3A_372 = arith.index_cast %swap3A_370 : i32 to index
        %swap3A_373 = arith.index_cast %mul3A_368 : i32 to index
        %swap3A_374 = tpu.vector_load %arg7[%swap3A_371, %swap3A_372, %swap3A_373] {strides = array<i32>} : memref<2x64x512xf32, #tpu.memory_space<vmem>>, vector<16xf32>,
        tpu.vector_store %arg7[%swap3A_371, %swap3A_372, %swap3A_373], %gather3A_322 {strides = array<i32>} : memref<2x64x512xf32, #tpu.memory_space<vmem>>, vector<16xf32>,
        %mul3A_375 = arith.constant 16 : i32
        %mul3A_376 = arith.muli %mul3A_375, %scan3A_108 : i32
        %swap3A_377 = arith.constant 1 : i32
        %swap3A_378 = arith.constant 21 : i32
        %swap3A_379 = arith.index_cast %swap3A_377 : i32 to index
        %swap3A_380 = arith.index_cast %swap3A_378 : i32 to index
        %swap3A_381 = arith.index_cast %mul3A_376 : i32 to index
        %swap3A_382 = tpu.vector_load %arg7[%swap3A_379, %swap3A_380, %swap3A_381] {strides = array<i32>} : memref<2x64x512xf32, #tpu.memory_space<vmem>>, vector<16xf32>,
        tpu.vector_store %arg7[%swap3A_379, %swap3A_380, %swap3A_381], %gather3A_326 {strides = array<i32>} : memref<2x64x512xf32, #tpu.memory_space<vmem>>, vector<16xf32>,
        %mul3A_383 = arith.constant 16 : i32
        %mul3A_384 = arith.muli %mul3A_383, %scan3A_108 : i32
        %swap3A_385 = arith.constant 1 : i32
        %swap3A_386 = arith.constant 22 : i32
        %swap3A_387 = arith.index_cast %swap3A_385 : i32 to index
        %swap3A_388 = arith.index_cast %swap3A_386 : i32 to index
        %swap3A_389 = arith.index_cast %mul3A_384 : i32 to index
        %swap3A_390 = tpu.vector_load %arg7[%swap3A_387, %swap3A_388, %swap3A_389] {strides = array<i32>} : memref<2x64x512xf32, #tpu.memory_space<vmem>>, vector<16xf32>,
        tpu.vector_store %arg7[%swap3A_387, %swap3A_388, %swap3A_389], %gather3A_330 {strides = array<i32>} : memref<2x64x512xf32, #tpu.memory_space<vmem>>, vector<16xf32>,
        %mul3A_391 = arith.constant 16 : i32
        %mul3A_392 = arith.muli %mul3A_391, %scan3A_108 : i32
        %swap3A_393 = arith.constant 1 : i32
        %swap3A_394 = arith.constant 23 : i32
        %swap3A_395 = arith.index_cast %swap3A_393 : i32 to index
        %swap3A_396 = arith.index_cast %swap3A_394 : i32 to index
        %swap3A_397 = arith.index_cast %mul3A_392 : i32 to index
        %swap3A_398 = tpu.vector_load %arg7[%swap3A_395, %swap3A_396, %swap3A_397] {strides = array<i32>} : memref<2x64x512xf32, #tpu.memory_space<vmem>>, vector<16xf32>,
        tpu.vector_store %arg7[%swap3A_395, %swap3A_396, %swap3A_397], %gather3A_334 {strides = array<i32>} : memref<2x64x512xf32, #tpu.memory_space<vmem>>, vector<16xf32>,
        %add3A_399 = arith.constant 2496 : i32
        %add3A_400 = vector.broadcast %add3A_399 : i32 to vector<16xi32>
        %add3A_401 = arith.addi %get3A_112, %add3A_400 : vector<16xi32>
        %gather3A_402 = tpu.vector_load_idx %arg5[%add3A_401] : memref<6656xf32, #tpu.memory_space<vmem>>[vector<16xi32>], vector<16xf32>,
        %add3A_403 = arith.constant 2600 : i32
        %add3A_404 = vector.broadcast %add3A_403 : i32 to vector<16xi32>
        %add3A_405 = arith.addi %get3A_112, %add3A_404 : vector<16xi32>
        %gather3A_406 = tpu.vector_load_idx %arg5[%add3A_405] : memref<6656xf32, #tpu.memory_space<vmem>>[vector<16xi32>], vector<16xf32>,
        %add3A_407 = arith.constant 2704 : i32
        %add3A_408 = vector.broadcast %add3A_407 : i32 to vector<16xi32>
        %add3A_409 = arith.addi %get3A_112, %add3A_408 : vector<16xi32>
        %gather3A_410 = tpu.vector_load_idx %arg5[%add3A_409] : memref<6656xf32, #tpu.memory_space<vmem>>[vector<16xi32>], vector<16xf32>,
        %add3A_411 = arith.constant 2808 : i32
        %add3A_412 = vector.broadcast %add3A_411 : i32 to vector<16xi32>
        %add3A_413 = arith.addi %get3A_112, %add3A_412 : vector<16xi32>
        %gather3A_414 = tpu.vector_load_idx %arg5[%add3A_413] : memref<6656xf32, #tpu.memory_space<vmem>>[vector<16xi32>], vector<16xf32>,
        %add3A_415 = arith.constant 2912 : i32
        %add3A_416 = vector.broadcast %add3A_415 : i32 to vector<16xi32>
        %add3A_417 = arith.addi %get3A_112, %add3A_416 : vector<16xi32>
        %gather3A_418 = tpu.vector_load_idx %arg5[%add3A_417] : memref<6656xf32, #tpu.memory_space<vmem>>[vector<16xi32>], vector<16xf32>,
        %add3A_419 = arith.constant 3016 : i32
        %add3A_420 = vector.broadcast %add3A_419 : i32 to vector<16xi32>
        %add3A_421 = arith.addi %get3A_112, %add3A_420 : vector<16xi32>
        %gather3A_422 = tpu.vector_load_idx %arg5[%add3A_421] : memref<6656xf32, #tpu.memory_space<vmem>>[vector<16xi32>], vector<16xf32>,
        %add3A_423 = arith.constant 3120 : i32
        %add3A_424 = vector.broadcast %add3A_423 : i32 to vector<16xi32>
        %add3A_425 = arith.addi %get3A_112, %add3A_424 : vector<16xi32>
        %gather3A_426 = tpu.vector_load_idx %arg5[%add3A_425] : memref<6656xf32, #tpu.memory_space<vmem>>[vector<16xi32>], vector<16xf32>,
        %add3A_427 = arith.constant 3224 : i32
        %add3A_428 = vector.broadcast %add3A_427 : i32 to vector<16xi32>
        %add3A_429 = arith.addi %get3A_112, %add3A_428 : vector<16xi32>
        %gather3A_430 = tpu.vector_load_idx %arg5[%add3A_429] : memref<6656xf32, #tpu.memory_space<vmem>>[vector<16xi32>], vector<16xf32>,
        %mul3A_431 = arith.constant 16 : i32
        %mul3A_432 = arith.muli %mul3A_431, %scan3A_108 : i32
        %swap3A_433 = arith.constant 1 : i32
        %swap3A_434 = arith.constant 24 : i32
        %swap3A_435 = arith.index_cast %swap3A_433 : i32 to index
        %swap3A_436 = arith.index_cast %swap3A_434 : i32 to index
        %swap3A_437 = arith.index_cast %mul3A_432 : i32 to index
        %swap3A_438 = tpu.vector_load %arg7[%swap3A_435, %swap3A_436, %swap3A_437] {strides = array<i32>} : memref<2x64x512xf32, #tpu.memory_space<vmem>>, vector<16xf32>,
        tpu.vector_store %arg7[%swap3A_435, %swap3A_436, %swap3A_437], %gather3A_402 {strides = array<i32>} : memref<2x64x512xf32, #tpu.memory_space<vmem>>, vector<16xf32>,
        %mul3A_439 = arith.constant 16 : i32
        %mul3A_440 = arith.muli %mul3A_439, %scan3A_108 : i32
        %swap3A_441 = arith.constant 1 : i32
        %swap3A_442 = arith.constant 25 : i32
        %swap3A_443 = arith.index_cast %swap3A_441 : i32 to index
        %swap3A_444 = arith.index_cast %swap3A_442 : i32 to index
        %swap3A_445 = arith.index_cast %mul3A_440 : i32 to index
        %swap3A_446 = tpu.vector_load %arg7[%swap3A_443, %swap3A_444, %swap3A_445] {strides = array<i32>} : memref<2x64x512xf32, #tpu.memory_space<vmem>>, vector<16xf32>,
        tpu.vector_store %arg7[%swap3A_443, %swap3A_444, %swap3A_445], %gather3A_406 {strides = array<i32>} : memref<2x64x512xf32, #tpu.memory_space<vmem>>, vector<16xf32>,
        %mul3A_447 = arith.constant 16 : i32
        %mul3A_448 = arith.muli %mul3A_447, %scan3A_108 : i32
        %swap3A_449 = arith.constant 1 : i32
        %swap3A_450 = arith.constant 26 : i32
        %swap3A_451 = arith.index_cast %swap3A_449 : i32 to index
        %swap3A_452 = arith.index_cast %swap3A_450 : i32 to index
        %swap3A_453 = arith.index_cast %mul3A_448 : i32 to index
        %swap3A_454 = tpu.vector_load %arg7[%swap3A_451, %swap3A_452, %swap3A_453] {strides = array<i32>} : memref<2x64x512xf32, #tpu.memory_space<vmem>>, vector<16xf32>,
        tpu.vector_store %arg7[%swap3A_451, %swap3A_452, %swap3A_453], %gather3A_410 {strides = array<i32>} : memref<2x64x512xf32, #tpu.memory_space<vmem>>, vector<16xf32>,
        %mul3A_455 = arith.constant 16 : i32
        %mul3A_456 = arith.muli %mul3A_455, %scan3A_108 : i32
        %swap3A_457 = arith.constant 1 : i32
        %swap3A_458 = arith.constant 27 : i32
        %swap3A_459 = arith.index_cast %swap3A_457 : i32 to index
        %swap3A_460 = arith.index_cast %swap3A_458 : i32 to index
        %swap3A_461 = arith.index_cast %mul3A_456 : i32 to index
        %swap3A_462 = tpu.vector_load %arg7[%swap3A_459, %swap3A_460, %swap3A_461] {strides = array<i32>} : memref<2x64x512xf32, #tpu.memory_space<vmem>>, vector<16xf32>,
        tpu.vector_store %arg7[%swap3A_459, %swap3A_460, %swap3A_461], %gather3A_414 {strides = array<i32>} : memref<2x64x512xf32, #tpu.memory_space<vmem>>, vector<16xf32>,
        %mul3A_463 = arith.constant 16 : i32
        %mul3A_464 = arith.muli %mul3A_463, %scan3A_108 : i32
        %swap3A_465 = arith.constant 1 : i32
        %swap3A_466 = arith.constant 28 : i32
        %swap3A_467 = arith.index_cast %swap3A_465 : i32 to index
        %swap3A_468 = arith.index_cast %swap3A_466 : i32 to index
        %swap3A_469 = arith.index_cast %mul3A_464 : i32 to index
        %swap3A_470 = tpu.vector_load %arg7[%swap3A_467, %swap3A_468, %swap3A_469] {strides = array<i32>} : memref<2x64x512xf32, #tpu.memory_space<vmem>>, vector<16xf32>,
        tpu.vector_store %arg7[%swap3A_467, %swap3A_468, %swap3A_469], %gather3A_418 {strides = array<i32>} : memref<2x64x512xf32, #tpu.memory_space<vmem>>, vector<16xf32>,
        %mul3A_471 = arith.constant 16 : i32
        %mul3A_472 = arith.muli %mul3A_471, %scan3A_108 : i32
        %swap3A_473 = arith.constant 1 : i32
        %swap3A_474 = arith.constant 29 : i32
        %swap3A_475 = arith.index_cast %swap3A_473 : i32 to index
        %swap3A_476 = arith.index_cast %swap3A_474 : i32 to index
        %swap3A_477 = arith.index_cast %mul3A_472 : i32 to index
        %swap3A_478 = tpu.vector_load %arg7[%swap3A_475, %swap3A_476, %swap3A_477] {strides = array<i32>} : memref<2x64x512xf32, #tpu.memory_space<vmem>>, vector<16xf32>,
        tpu.vector_store %arg7[%swap3A_475, %swap3A_476, %swap3A_477], %gather3A_422 {strides = array<i32>} : memref<2x64x512xf32, #tpu.memory_space<vmem>>, vector<16xf32>,
        %mul3A_479 = arith.constant 16 : i32
        %mul3A_480 = arith.muli %mul3A_479, %scan3A_108 : i32
        %swap3A_481 = arith.constant 1 : i32
        %swap3A_482 = arith.constant 30 : i32
        %swap3A_483 = arith.index_cast %swap3A_481 : i32 to index
        %swap3A_484 = arith.index_cast %swap3A_482 : i32 to index
        %swap3A_485 = arith.index_cast %mul3A_480 : i32 to index
        %swap3A_486 = tpu.vector_load %arg7[%swap3A_483, %swap3A_484, %swap3A_485] {strides = array<i32>} : memref<2x64x512xf32, #tpu.memory_space<vmem>>, vector<16xf32>,
        tpu.vector_store %arg7[%swap3A_483, %swap3A_484, %swap3A_485], %gather3A_426 {strides = array<i32>} : memref<2x64x512xf32, #tpu.memory_space<vmem>>, vector<16xf32>,
        %mul3A_487 = arith.constant 16 : i32
        %mul3A_488 = arith.muli %mul3A_487, %scan3A_108 : i32
        %swap3A_489 = arith.constant 1 : i32
        %swap3A_490 = arith.constant 31 : i32
        %swap3A_491 = arith.index_cast %swap3A_489 : i32 to index
        %swap3A_492 = arith.index_cast %swap3A_490 : i32 to index
        %swap3A_493 = arith.index_cast %mul3A_488 : i32 to index
        %swap3A_494 = tpu.vector_load %arg7[%swap3A_491, %swap3A_492, %swap3A_493] {strides = array<i32>} : memref<2x64x512xf32, #tpu.memory_space<vmem>>, vector<16xf32>,
        tpu.vector_store %arg7[%swap3A_491, %swap3A_492, %swap3A_493], %gather3A_430 {strides = array<i32>} : memref<2x64x512xf32, #tpu.memory_space<vmem>>, vector<16xf32>,
        %add3A_495 = arith.constant 3328 : i32
        %add3A_496 = vector.broadcast %add3A_495 : i32 to vector<16xi32>
        %add3A_497 = arith.addi %get3A_112, %add3A_496 : vector<16xi32>
        %gather3A_498 = tpu.vector_load_idx %arg5[%add3A_497] : memref<6656xf32, #tpu.memory_space<vmem>>[vector<16xi32>], vector<16xf32>,
        %add3A_499 = arith.constant 3432 : i32
        %add3A_500 = vector.broadcast %add3A_499 : i32 to vector<16xi32>
        %add3A_501 = arith.addi %get3A_112, %add3A_500 : vector<16xi32>
        %gather3A_502 = tpu.vector_load_idx %arg5[%add3A_501] : memref<6656xf32, #tpu.memory_space<vmem>>[vector<16xi32>], vector<16xf32>,
        %add3A_503 = arith.constant 3536 : i32
        %add3A_504 = vector.broadcast %add3A_503 : i32 to vector<16xi32>
        %add3A_505 = arith.addi %get3A_112, %add3A_504 : vector<16xi32>
        %gather3A_506 = tpu.vector_load_idx %arg5[%add3A_505] : memref<6656xf32, #tpu.memory_space<vmem>>[vector<16xi32>], vector<16xf32>,
        %add3A_507 = arith.constant 3640 : i32
        %add3A_508 = vector.broadcast %add3A_507 : i32 to vector<16xi32>
        %add3A_509 = arith.addi %get3A_112, %add3A_508 : vector<16xi32>
        %gather3A_510 = tpu.vector_load_idx %arg5[%add3A_509] : memref<6656xf32, #tpu.memory_space<vmem>>[vector<16xi32>], vector<16xf32>,
        %add3A_511 = arith.constant 3744 : i32
        %add3A_512 = vector.broadcast %add3A_511 : i32 to vector<16xi32>
        %add3A_513 = arith.addi %get3A_112, %add3A_512 : vector<16xi32>
        %gather3A_514 = tpu.vector_load_idx %arg5[%add3A_513] : memref<6656xf32, #tpu.memory_space<vmem>>[vector<16xi32>], vector<16xf32>,
        %add3A_515 = arith.constant 3848 : i32
        %add3A_516 = vector.broadcast %add3A_515 : i32 to vector<16xi32>
        %add3A_517 = arith.addi %get3A_112, %add3A_516 : vector<16xi32>
        %gather3A_518 = tpu.vector_load_idx %arg5[%add3A_517] : memref<6656xf32, #tpu.memory_space<vmem>>[vector<16xi32>], vector<16xf32>,
        %add3A_519 = arith.constant 3952 : i32
        %add3A_520 = vector.broadcast %add3A_519 : i32 to vector<16xi32>
        %add3A_521 = arith.addi %get3A_112, %add3A_520 : vector<16xi32>
        %gather3A_522 = tpu.vector_load_idx %arg5[%add3A_521] : memref<6656xf32, #tpu.memory_space<vmem>>[vector<16xi32>], vector<16xf32>,
        %add3A_523 = arith.constant 4056 : i32
        %add3A_524 = vector.broadcast %add3A_523 : i32 to vector<16xi32>
        %add3A_525 = arith.addi %get3A_112, %add3A_524 : vector<16xi32>
        %gather3A_526 = tpu.vector_load_idx %arg5[%add3A_525] : memref<6656xf32, #tpu.memory_space<vmem>>[vector<16xi32>], vector<16xf32>,
        %mul3A_527 = arith.constant 16 : i32
        %mul3A_528 = arith.muli %mul3A_527, %scan3A_108 : i32
        %swap3A_529 = arith.constant 1 : i32
        %swap3A_530 = arith.constant 32 : i32
        %swap3A_531 = arith.index_cast %swap3A_529 : i32 to index
        %swap3A_532 = arith.index_cast %swap3A_530 : i32 to index
        %swap3A_533 = arith.index_cast %mul3A_528 : i32 to index
        %swap3A_534 = tpu.vector_load %arg7[%swap3A_531, %swap3A_532, %swap3A_533] {strides = array<i32>} : memref<2x64x512xf32, #tpu.memory_space<vmem>>, vector<16xf32>,
        tpu.vector_store %arg7[%swap3A_531, %swap3A_532, %swap3A_533], %gather3A_498 {strides = array<i32>} : memref<2x64x512xf32, #tpu.memory_space<vmem>>, vector<16xf32>,
        %mul3A_535 = arith.constant 16 : i32
        %mul3A_536 = arith.muli %mul3A_535, %scan3A_108 : i32
        %swap3A_537 = arith.constant 1 : i32
        %swap3A_538 = arith.constant 33 : i32
        %swap3A_539 = arith.index_cast %swap3A_537 : i32 to index
        %swap3A_540 = arith.index_cast %swap3A_538 : i32 to index
        %swap3A_541 = arith.index_cast %mul3A_536 : i32 to index
        %swap3A_542 = tpu.vector_load %arg7[%swap3A_539, %swap3A_540, %swap3A_541] {strides = array<i32>} : memref<2x64x512xf32, #tpu.memory_space<vmem>>, vector<16xf32>,
        tpu.vector_store %arg7[%swap3A_539, %swap3A_540, %swap3A_541], %gather3A_502 {strides = array<i32>} : memref<2x64x512xf32, #tpu.memory_space<vmem>>, vector<16xf32>,
        %mul3A_543 = arith.constant 16 : i32
        %mul3A_544 = arith.muli %mul3A_543, %scan3A_108 : i32
        %swap3A_545 = arith.constant 1 : i32
        %swap3A_546 = arith.constant 34 : i32
        %swap3A_547 = arith.index_cast %swap3A_545 : i32 to index
        %swap3A_548 = arith.index_cast %swap3A_546 : i32 to index
        %swap3A_549 = arith.index_cast %mul3A_544 : i32 to index
        %swap3A_550 = tpu.vector_load %arg7[%swap3A_547, %swap3A_548, %swap3A_549] {strides = array<i32>} : memref<2x64x512xf32, #tpu.memory_space<vmem>>, vector<16xf32>,
        tpu.vector_store %arg7[%swap3A_547, %swap3A_548, %swap3A_549], %gather3A_506 {strides = array<i32>} : memref<2x64x512xf32, #tpu.memory_space<vmem>>, vector<16xf32>,
        %mul3A_551 = arith.constant 16 : i32
        %mul3A_552 = arith.muli %mul3A_551, %scan3A_108 : i32
        %swap3A_553 = arith.constant 1 : i32
        %swap3A_554 = arith.constant 35 : i32
        %swap3A_555 = arith.index_cast %swap3A_553 : i32 to index
        %swap3A_556 = arith.index_cast %swap3A_554 : i32 to index
        %swap3A_557 = arith.index_cast %mul3A_552 : i32 to index
        %swap3A_558 = tpu.vector_load %arg7[%swap3A_555, %swap3A_556, %swap3A_557] {strides = array<i32>} : memref<2x64x512xf32, #tpu.memory_space<vmem>>, vector<16xf32>,
        tpu.vector_store %arg7[%swap3A_555, %swap3A_556, %swap3A_557], %gather3A_510 {strides = array<i32>} : memref<2x64x512xf32, #tpu.memory_space<vmem>>, vector<16xf32>,
        %mul3A_559 = arith.constant 16 : i32
        %mul3A_560 = arith.muli %mul3A_559, %scan3A_108 : i32
        %swap3A_561 = arith.constant 1 : i32
        %swap3A_562 = arith.constant 36 : i32
        %swap3A_563 = arith.index_cast %swap3A_561 : i32 to index
        %swap3A_564 = arith.index_cast %swap3A_562 : i32 to index
        %swap3A_565 = arith.index_cast %mul3A_560 : i32 to index
        %swap3A_566 = tpu.vector_load %arg7[%swap3A_563, %swap3A_564, %swap3A_565] {strides = array<i32>} : memref<2x64x512xf32, #tpu.memory_space<vmem>>, vector<16xf32>,
        tpu.vector_store %arg7[%swap3A_563, %swap3A_564, %swap3A_565], %gather3A_514 {strides = array<i32>} : memref<2x64x512xf32, #tpu.memory_space<vmem>>, vector<16xf32>,
        %mul3A_567 = arith.constant 16 : i32
        %mul3A_568 = arith.muli %mul3A_567, %scan3A_108 : i32
        %swap3A_569 = arith.constant 1 : i32
        %swap3A_570 = arith.constant 37 : i32
        %swap3A_571 = arith.index_cast %swap3A_569 : i32 to index
        %swap3A_572 = arith.index_cast %swap3A_570 : i32 to index
        %swap3A_573 = arith.index_cast %mul3A_568 : i32 to index
        %swap3A_574 = tpu.vector_load %arg7[%swap3A_571, %swap3A_572, %swap3A_573] {strides = array<i32>} : memref<2x64x512xf32, #tpu.memory_space<vmem>>, vector<16xf32>,
        tpu.vector_store %arg7[%swap3A_571, %swap3A_572, %swap3A_573], %gather3A_518 {strides = array<i32>} : memref<2x64x512xf32, #tpu.memory_space<vmem>>, vector<16xf32>,
        %mul3A_575 = arith.constant 16 : i32
        %mul3A_576 = arith.muli %mul3A_575, %scan3A_108 : i32
        %swap3A_577 = arith.constant 1 : i32
        %swap3A_578 = arith.constant 38 : i32
        %swap3A_579 = arith.index_cast %swap3A_577 : i32 to index
        %swap3A_580 = arith.index_cast %swap3A_578 : i32 to index
        %swap3A_581 = arith.index_cast %mul3A_576 : i32 to index
        %swap3A_582 = tpu.vector_load %arg7[%swap3A_579, %swap3A_580, %swap3A_581] {strides = array<i32>} : memref<2x64x512xf32, #tpu.memory_space<vmem>>, vector<16xf32>,
        tpu.vector_store %arg7[%swap3A_579, %swap3A_580, %swap3A_581], %gather3A_522 {strides = array<i32>} : memref<2x64x512xf32, #tpu.memory_space<vmem>>, vector<16xf32>,
        %mul3A_583 = arith.constant 16 : i32
        %mul3A_584 = arith.muli %mul3A_583, %scan3A_108 : i32
        %swap3A_585 = arith.constant 1 : i32
        %swap3A_586 = arith.constant 39 : i32
        %swap3A_587 = arith.index_cast %swap3A_585 : i32 to index
        %swap3A_588 = arith.index_cast %swap3A_586 : i32 to index
        %swap3A_589 = arith.index_cast %mul3A_584 : i32 to index
        %swap3A_590 = tpu.vector_load %arg7[%swap3A_587, %swap3A_588, %swap3A_589] {strides = array<i32>} : memref<2x64x512xf32, #tpu.memory_space<vmem>>, vector<16xf32>,
        tpu.vector_store %arg7[%swap3A_587, %swap3A_588, %swap3A_589], %gather3A_526 {strides = array<i32>} : memref<2x64x512xf32, #tpu.memory_space<vmem>>, vector<16xf32>,
        %add3A_591 = arith.constant 4160 : i32
        %add3A_592 = vector.broadcast %add3A_591 : i32 to vector<16xi32>
        %add3A_593 = arith.addi %get3A_112, %add3A_592 : vector<16xi32>
        %gather3A_594 = tpu.vector_load_idx %arg5[%add3A_593] : memref<6656xf32, #tpu.memory_space<vmem>>[vector<16xi32>], vector<16xf32>,
        %add3A_595 = arith.constant 4264 : i32
        %add3A_596 = vector.broadcast %add3A_595 : i32 to vector<16xi32>
        %add3A_597 = arith.addi %get3A_112, %add3A_596 : vector<16xi32>
        %gather3A_598 = tpu.vector_load_idx %arg5[%add3A_597] : memref<6656xf32, #tpu.memory_space<vmem>>[vector<16xi32>], vector<16xf32>,
        %add3A_599 = arith.constant 4368 : i32
        %add3A_600 = vector.broadcast %add3A_599 : i32 to vector<16xi32>
        %add3A_601 = arith.addi %get3A_112, %add3A_600 : vector<16xi32>
        %gather3A_602 = tpu.vector_load_idx %arg5[%add3A_601] : memref<6656xf32, #tpu.memory_space<vmem>>[vector<16xi32>], vector<16xf32>,
        %add3A_603 = arith.constant 4472 : i32
        %add3A_604 = vector.broadcast %add3A_603 : i32 to vector<16xi32>
        %add3A_605 = arith.addi %get3A_112, %add3A_604 : vector<16xi32>
        %gather3A_606 = tpu.vector_load_idx %arg5[%add3A_605] : memref<6656xf32, #tpu.memory_space<vmem>>[vector<16xi32>], vector<16xf32>,
        %add3A_607 = arith.constant 4576 : i32
        %add3A_608 = vector.broadcast %add3A_607 : i32 to vector<16xi32>
        %add3A_609 = arith.addi %get3A_112, %add3A_608 : vector<16xi32>
        %gather3A_610 = tpu.vector_load_idx %arg5[%add3A_609] : memref<6656xf32, #tpu.memory_space<vmem>>[vector<16xi32>], vector<16xf32>,
        %add3A_611 = arith.constant 4680 : i32
        %add3A_612 = vector.broadcast %add3A_611 : i32 to vector<16xi32>
        %add3A_613 = arith.addi %get3A_112, %add3A_612 : vector<16xi32>
        %gather3A_614 = tpu.vector_load_idx %arg5[%add3A_613] : memref<6656xf32, #tpu.memory_space<vmem>>[vector<16xi32>], vector<16xf32>,
        %add3A_615 = arith.constant 4784 : i32
        %add3A_616 = vector.broadcast %add3A_615 : i32 to vector<16xi32>
        %add3A_617 = arith.addi %get3A_112, %add3A_616 : vector<16xi32>
        %gather3A_618 = tpu.vector_load_idx %arg5[%add3A_617] : memref<6656xf32, #tpu.memory_space<vmem>>[vector<16xi32>], vector<16xf32>,
        %add3A_619 = arith.constant 4888 : i32
        %add3A_620 = vector.broadcast %add3A_619 : i32 to vector<16xi32>
        %add3A_621 = arith.addi %get3A_112, %add3A_620 : vector<16xi32>
        %gather3A_622 = tpu.vector_load_idx %arg5[%add3A_621] : memref<6656xf32, #tpu.memory_space<vmem>>[vector<16xi32>], vector<16xf32>,
        %mul3A_623 = arith.constant 16 : i32
        %mul3A_624 = arith.muli %mul3A_623, %scan3A_108 : i32
        %swap3A_625 = arith.constant 1 : i32
        %swap3A_626 = arith.constant 40 : i32
        %swap3A_627 = arith.index_cast %swap3A_625 : i32 to index
        %swap3A_628 = arith.index_cast %swap3A_626 : i32 to index
        %swap3A_629 = arith.index_cast %mul3A_624 : i32 to index
        %swap3A_630 = tpu.vector_load %arg7[%swap3A_627, %swap3A_628, %swap3A_629] {strides = array<i32>} : memref<2x64x512xf32, #tpu.memory_space<vmem>>, vector<16xf32>,
        tpu.vector_store %arg7[%swap3A_627, %swap3A_628, %swap3A_629], %gather3A_594 {strides = array<i32>} : memref<2x64x512xf32, #tpu.memory_space<vmem>>, vector<16xf32>,
        %mul3A_631 = arith.constant 16 : i32
        %mul3A_632 = arith.muli %mul3A_631, %scan3A_108 : i32
        %swap3A_633 = arith.constant 1 : i32
        %swap3A_634 = arith.constant 41 : i32
        %swap3A_635 = arith.index_cast %swap3A_633 : i32 to index
        %swap3A_636 = arith.index_cast %swap3A_634 : i32 to index
        %swap3A_637 = arith.index_cast %mul3A_632 : i32 to index
        %swap3A_638 = tpu.vector_load %arg7[%swap3A_635, %swap3A_636, %swap3A_637] {strides = array<i32>} : memref<2x64x512xf32, #tpu.memory_space<vmem>>, vector<16xf32>,
        tpu.vector_store %arg7[%swap3A_635, %swap3A_636, %swap3A_637], %gather3A_598 {strides = array<i32>} : memref<2x64x512xf32, #tpu.memory_space<vmem>>, vector<16xf32>,
        %mul3A_639 = arith.constant 16 : i32
        %mul3A_640 = arith.muli %mul3A_639, %scan3A_108 : i32
        %swap3A_641 = arith.constant 1 : i32
        %swap3A_642 = arith.constant 42 : i32
        %swap3A_643 = arith.index_cast %swap3A_641 : i32 to index
        %swap3A_644 = arith.index_cast %swap3A_642 : i32 to index
        %swap3A_645 = arith.index_cast %mul3A_640 : i32 to index
        %swap3A_646 = tpu.vector_load %arg7[%swap3A_643, %swap3A_644, %swap3A_645] {strides = array<i32>} : memref<2x64x512xf32, #tpu.memory_space<vmem>>, vector<16xf32>,
        tpu.vector_store %arg7[%swap3A_643, %swap3A_644, %swap3A_645], %gather3A_602 {strides = array<i32>} : memref<2x64x512xf32, #tpu.memory_space<vmem>>, vector<16xf32>,
        %mul3A_647 = arith.constant 16 : i32
        %mul3A_648 = arith.muli %mul3A_647, %scan3A_108 : i32
        %swap3A_649 = arith.constant 1 : i32
        %swap3A_650 = arith.constant 43 : i32
        %swap3A_651 = arith.index_cast %swap3A_649 : i32 to index
        %swap3A_652 = arith.index_cast %swap3A_650 : i32 to index
        %swap3A_653 = arith.index_cast %mul3A_648 : i32 to index
        %swap3A_654 = tpu.vector_load %arg7[%swap3A_651, %swap3A_652, %swap3A_653] {strides = array<i32>} : memref<2x64x512xf32, #tpu.memory_space<vmem>>, vector<16xf32>,
        tpu.vector_store %arg7[%swap3A_651, %swap3A_652, %swap3A_653], %gather3A_606 {strides = array<i32>} : memref<2x64x512xf32, #tpu.memory_space<vmem>>, vector<16xf32>,
        %mul3A_655 = arith.constant 16 : i32
        %mul3A_656 = arith.muli %mul3A_655, %scan3A_108 : i32
        %swap3A_657 = arith.constant 1 : i32
        %swap3A_658 = arith.constant 44 : i32
        %swap3A_659 = arith.index_cast %swap3A_657 : i32 to index
        %swap3A_660 = arith.index_cast %swap3A_658 : i32 to index
        %swap3A_661 = arith.index_cast %mul3A_656 : i32 to index
        %swap3A_662 = tpu.vector_load %arg7[%swap3A_659, %swap3A_660, %swap3A_661] {strides = array<i32>} : memref<2x64x512xf32, #tpu.memory_space<vmem>>, vector<16xf32>,
        tpu.vector_store %arg7[%swap3A_659, %swap3A_660, %swap3A_661], %gather3A_610 {strides = array<i32>} : memref<2x64x512xf32, #tpu.memory_space<vmem>>, vector<16xf32>,
        %mul3A_663 = arith.constant 16 : i32
        %mul3A_664 = arith.muli %mul3A_663, %scan3A_108 : i32
        %swap3A_665 = arith.constant 1 : i32
        %swap3A_666 = arith.constant 45 : i32
        %swap3A_667 = arith.index_cast %swap3A_665 : i32 to index
        %swap3A_668 = arith.index_cast %swap3A_666 : i32 to index
        %swap3A_669 = arith.index_cast %mul3A_664 : i32 to index
        %swap3A_670 = tpu.vector_load %arg7[%swap3A_667, %swap3A_668, %swap3A_669] {strides = array<i32>} : memref<2x64x512xf32, #tpu.memory_space<vmem>>, vector<16xf32>,
        tpu.vector_store %arg7[%swap3A_667, %swap3A_668, %swap3A_669], %gather3A_614 {strides = array<i32>} : memref<2x64x512xf32, #tpu.memory_space<vmem>>, vector<16xf32>,
        %mul3A_671 = arith.constant 16 : i32
        %mul3A_672 = arith.muli %mul3A_671, %scan3A_108 : i32
        %swap3A_673 = arith.constant 1 : i32
        %swap3A_674 = arith.constant 46 : i32
        %swap3A_675 = arith.index_cast %swap3A_673 : i32 to index
        %swap3A_676 = arith.index_cast %swap3A_674 : i32 to index
        %swap3A_677 = arith.index_cast %mul3A_672 : i32 to index
        %swap3A_678 = tpu.vector_load %arg7[%swap3A_675, %swap3A_676, %swap3A_677] {strides = array<i32>} : memref<2x64x512xf32, #tpu.memory_space<vmem>>, vector<16xf32>,
        tpu.vector_store %arg7[%swap3A_675, %swap3A_676, %swap3A_677], %gather3A_618 {strides = array<i32>} : memref<2x64x512xf32, #tpu.memory_space<vmem>>, vector<16xf32>,
        %mul3A_679 = arith.constant 16 : i32
        %mul3A_680 = arith.muli %mul3A_679, %scan3A_108 : i32
        %swap3A_681 = arith.constant 1 : i32
        %swap3A_682 = arith.constant 47 : i32
        %swap3A_683 = arith.index_cast %swap3A_681 : i32 to index
        %swap3A_684 = arith.index_cast %swap3A_682 : i32 to index
        %swap3A_685 = arith.index_cast %mul3A_680 : i32 to index
        %swap3A_686 = tpu.vector_load %arg7[%swap3A_683, %swap3A_684, %swap3A_685] {strides = array<i32>} : memref<2x64x512xf32, #tpu.memory_space<vmem>>, vector<16xf32>,
        tpu.vector_store %arg7[%swap3A_683, %swap3A_684, %swap3A_685], %gather3A_622 {strides = array<i32>} : memref<2x64x512xf32, #tpu.memory_space<vmem>>, vector<16xf32>,
        %add3A_687 = arith.constant 4992 : i32
        %add3A_688 = vector.broadcast %add3A_687 : i32 to vector<16xi32>
        %add3A_689 = arith.addi %get3A_112, %add3A_688 : vector<16xi32>
        %gather3A_690 = tpu.vector_load_idx %arg5[%add3A_689] : memref<6656xf32, #tpu.memory_space<vmem>>[vector<16xi32>], vector<16xf32>,
        %add3A_691 = arith.constant 5096 : i32
        %add3A_692 = vector.broadcast %add3A_691 : i32 to vector<16xi32>
        %add3A_693 = arith.addi %get3A_112, %add3A_692 : vector<16xi32>
        %gather3A_694 = tpu.vector_load_idx %arg5[%add3A_693] : memref<6656xf32, #tpu.memory_space<vmem>>[vector<16xi32>], vector<16xf32>,
        %add3A_695 = arith.constant 5200 : i32
        %add3A_696 = vector.broadcast %add3A_695 : i32 to vector<16xi32>
        %add3A_697 = arith.addi %get3A_112, %add3A_696 : vector<16xi32>
        %gather3A_698 = tpu.vector_load_idx %arg5[%add3A_697] : memref<6656xf32, #tpu.memory_space<vmem>>[vector<16xi32>], vector<16xf32>,
        %add3A_699 = arith.constant 5304 : i32
        %add3A_700 = vector.broadcast %add3A_699 : i32 to vector<16xi32>
        %add3A_701 = arith.addi %get3A_112, %add3A_700 : vector<16xi32>
        %gather3A_702 = tpu.vector_load_idx %arg5[%add3A_701] : memref<6656xf32, #tpu.memory_space<vmem>>[vector<16xi32>], vector<16xf32>,
        %add3A_703 = arith.constant 5408 : i32
        %add3A_704 = vector.broadcast %add3A_703 : i32 to vector<16xi32>
        %add3A_705 = arith.addi %get3A_112, %add3A_704 : vector<16xi32>
        %gather3A_706 = tpu.vector_load_idx %arg5[%add3A_705] : memref<6656xf32, #tpu.memory_space<vmem>>[vector<16xi32>], vector<16xf32>,
        %add3A_707 = arith.constant 5512 : i32
        %add3A_708 = vector.broadcast %add3A_707 : i32 to vector<16xi32>
        %add3A_709 = arith.addi %get3A_112, %add3A_708 : vector<16xi32>
        %gather3A_710 = tpu.vector_load_idx %arg5[%add3A_709] : memref<6656xf32, #tpu.memory_space<vmem>>[vector<16xi32>], vector<16xf32>,
        %add3A_711 = arith.constant 5616 : i32
        %add3A_712 = vector.broadcast %add3A_711 : i32 to vector<16xi32>
        %add3A_713 = arith.addi %get3A_112, %add3A_712 : vector<16xi32>
        %gather3A_714 = tpu.vector_load_idx %arg5[%add3A_713] : memref<6656xf32, #tpu.memory_space<vmem>>[vector<16xi32>], vector<16xf32>,
        %add3A_715 = arith.constant 5720 : i32
        %add3A_716 = vector.broadcast %add3A_715 : i32 to vector<16xi32>
        %add3A_717 = arith.addi %get3A_112, %add3A_716 : vector<16xi32>
        %gather3A_718 = tpu.vector_load_idx %arg5[%add3A_717] : memref<6656xf32, #tpu.memory_space<vmem>>[vector<16xi32>], vector<16xf32>,
        %mul3A_719 = arith.constant 16 : i32
        %mul3A_720 = arith.muli %mul3A_719, %scan3A_108 : i32
        %swap3A_721 = arith.constant 1 : i32
        %swap3A_722 = arith.constant 48 : i32
        %swap3A_723 = arith.index_cast %swap3A_721 : i32 to index
        %swap3A_724 = arith.index_cast %swap3A_722 : i32 to index
        %swap3A_725 = arith.index_cast %mul3A_720 : i32 to index
        %swap3A_726 = tpu.vector_load %arg7[%swap3A_723, %swap3A_724, %swap3A_725] {strides = array<i32>} : memref<2x64x512xf32, #tpu.memory_space<vmem>>, vector<16xf32>,
        tpu.vector_store %arg7[%swap3A_723, %swap3A_724, %swap3A_725], %gather3A_690 {strides = array<i32>} : memref<2x64x512xf32, #tpu.memory_space<vmem>>, vector<16xf32>,
        %mul3A_727 = arith.constant 16 : i32
        %mul3A_728 = arith.muli %mul3A_727, %scan3A_108 : i32
        %swap3A_729 = arith.constant 1 : i32
        %swap3A_730 = arith.constant 49 : i32
        %swap3A_731 = arith.index_cast %swap3A_729 : i32 to index
        %swap3A_732 = arith.index_cast %swap3A_730 : i32 to index
        %swap3A_733 = arith.index_cast %mul3A_728 : i32 to index
        %swap3A_734 = tpu.vector_load %arg7[%swap3A_731, %swap3A_732, %swap3A_733] {strides = array<i32>} : memref<2x64x512xf32, #tpu.memory_space<vmem>>, vector<16xf32>,
        tpu.vector_store %arg7[%swap3A_731, %swap3A_732, %swap3A_733], %gather3A_694 {strides = array<i32>} : memref<2x64x512xf32, #tpu.memory_space<vmem>>, vector<16xf32>,
        %mul3A_735 = arith.constant 16 : i32
        %mul3A_736 = arith.muli %mul3A_735, %scan3A_108 : i32
        %swap3A_737 = arith.constant 1 : i32
        %swap3A_738 = arith.constant 50 : i32
        %swap3A_739 = arith.index_cast %swap3A_737 : i32 to index
        %swap3A_740 = arith.index_cast %swap3A_738 : i32 to index
        %swap3A_741 = arith.index_cast %mul3A_736 : i32 to index
        %swap3A_742 = tpu.vector_load %arg7[%swap3A_739, %swap3A_740, %swap3A_741] {strides = array<i32>} : memref<2x64x512xf32, #tpu.memory_space<vmem>>, vector<16xf32>,
        tpu.vector_store %arg7[%swap3A_739, %swap3A_740, %swap3A_741], %gather3A_698 {strides = array<i32>} : memref<2x64x512xf32, #tpu.memory_space<vmem>>, vector<16xf32>,
        %mul3A_743 = arith.constant 16 : i32
        %mul3A_744 = arith.muli %mul3A_743, %scan3A_108 : i32
        %swap3A_745 = arith.constant 1 : i32
        %swap3A_746 = arith.constant 51 : i32
        %swap3A_747 = arith.index_cast %swap3A_745 : i32 to index
        %swap3A_748 = arith.index_cast %swap3A_746 : i32 to index
        %swap3A_749 = arith.index_cast %mul3A_744 : i32 to index
        %swap3A_750 = tpu.vector_load %arg7[%swap3A_747, %swap3A_748, %swap3A_749] {strides = array<i32>} : memref<2x64x512xf32, #tpu.memory_space<vmem>>, vector<16xf32>,
        tpu.vector_store %arg7[%swap3A_747, %swap3A_748, %swap3A_749], %gather3A_702 {strides = array<i32>} : memref<2x64x512xf32, #tpu.memory_space<vmem>>, vector<16xf32>,
        %mul3A_751 = arith.constant 16 : i32
        %mul3A_752 = arith.muli %mul3A_751, %scan3A_108 : i32
        %swap3A_753 = arith.constant 1 : i32
        %swap3A_754 = arith.constant 52 : i32
        %swap3A_755 = arith.index_cast %swap3A_753 : i32 to index
        %swap3A_756 = arith.index_cast %swap3A_754 : i32 to index
        %swap3A_757 = arith.index_cast %mul3A_752 : i32 to index
        %swap3A_758 = tpu.vector_load %arg7[%swap3A_755, %swap3A_756, %swap3A_757] {strides = array<i32>} : memref<2x64x512xf32, #tpu.memory_space<vmem>>, vector<16xf32>,
        tpu.vector_store %arg7[%swap3A_755, %swap3A_756, %swap3A_757], %gather3A_706 {strides = array<i32>} : memref<2x64x512xf32, #tpu.memory_space<vmem>>, vector<16xf32>,
        %mul3A_759 = arith.constant 16 : i32
        %mul3A_760 = arith.muli %mul3A_759, %scan3A_108 : i32
        %swap3A_761 = arith.constant 1 : i32
        %swap3A_762 = arith.constant 53 : i32
        %swap3A_763 = arith.index_cast %swap3A_761 : i32 to index
        %swap3A_764 = arith.index_cast %swap3A_762 : i32 to index
        %swap3A_765 = arith.index_cast %mul3A_760 : i32 to index
        %swap3A_766 = tpu.vector_load %arg7[%swap3A_763, %swap3A_764, %swap3A_765] {strides = array<i32>} : memref<2x64x512xf32, #tpu.memory_space<vmem>>, vector<16xf32>,
        tpu.vector_store %arg7[%swap3A_763, %swap3A_764, %swap3A_765], %gather3A_710 {strides = array<i32>} : memref<2x64x512xf32, #tpu.memory_space<vmem>>, vector<16xf32>,
        %mul3A_767 = arith.constant 16 : i32
        %mul3A_768 = arith.muli %mul3A_767, %scan3A_108 : i32
        %swap3A_769 = arith.constant 1 : i32
        %swap3A_770 = arith.constant 54 : i32
        %swap3A_771 = arith.index_cast %swap3A_769 : i32 to index
        %swap3A_772 = arith.index_cast %swap3A_770 : i32 to index
        %swap3A_773 = arith.index_cast %mul3A_768 : i32 to index
        %swap3A_774 = tpu.vector_load %arg7[%swap3A_771, %swap3A_772, %swap3A_773] {strides = array<i32>} : memref<2x64x512xf32, #tpu.memory_space<vmem>>, vector<16xf32>,
        tpu.vector_store %arg7[%swap3A_771, %swap3A_772, %swap3A_773], %gather3A_714 {strides = array<i32>} : memref<2x64x512xf32, #tpu.memory_space<vmem>>, vector<16xf32>,
        %mul3A_775 = arith.constant 16 : i32
        %mul3A_776 = arith.muli %mul3A_775, %scan3A_108 : i32
        %swap3A_777 = arith.constant 1 : i32
        %swap3A_778 = arith.constant 55 : i32
        %swap3A_779 = arith.index_cast %swap3A_777 : i32 to index
        %swap3A_780 = arith.index_cast %swap3A_778 : i32 to index
        %swap3A_781 = arith.index_cast %mul3A_776 : i32 to index
        %swap3A_782 = tpu.vector_load %arg7[%swap3A_779, %swap3A_780, %swap3A_781] {strides = array<i32>} : memref<2x64x512xf32, #tpu.memory_space<vmem>>, vector<16xf32>,
        tpu.vector_store %arg7[%swap3A_779, %swap3A_780, %swap3A_781], %gather3A_718 {strides = array<i32>} : memref<2x64x512xf32, #tpu.memory_space<vmem>>, vector<16xf32>,
        %add3A_783 = arith.constant 5824 : i32
        %add3A_784 = vector.broadcast %add3A_783 : i32 to vector<16xi32>
        %add3A_785 = arith.addi %get3A_112, %add3A_784 : vector<16xi32>
        %gather3A_786 = tpu.vector_load_idx %arg5[%add3A_785] : memref<6656xf32, #tpu.memory_space<vmem>>[vector<16xi32>], vector<16xf32>,
        %add3A_787 = arith.constant 5928 : i32
        %add3A_788 = vector.broadcast %add3A_787 : i32 to vector<16xi32>
        %add3A_789 = arith.addi %get3A_112, %add3A_788 : vector<16xi32>
        %gather3A_790 = tpu.vector_load_idx %arg5[%add3A_789] : memref<6656xf32, #tpu.memory_space<vmem>>[vector<16xi32>], vector<16xf32>,
        %add3A_791 = arith.constant 6032 : i32
        %add3A_792 = vector.broadcast %add3A_791 : i32 to vector<16xi32>
        %add3A_793 = arith.addi %get3A_112, %add3A_792 : vector<16xi32>
        %gather3A_794 = tpu.vector_load_idx %arg5[%add3A_793] : memref<6656xf32, #tpu.memory_space<vmem>>[vector<16xi32>], vector<16xf32>,
        %add3A_795 = arith.constant 6136 : i32
        %add3A_796 = vector.broadcast %add3A_795 : i32 to vector<16xi32>
        %add3A_797 = arith.addi %get3A_112, %add3A_796 : vector<16xi32>
        %gather3A_798 = tpu.vector_load_idx %arg5[%add3A_797] : memref<6656xf32, #tpu.memory_space<vmem>>[vector<16xi32>], vector<16xf32>,
        %add3A_799 = arith.constant 6240 : i32
        %add3A_800 = vector.broadcast %add3A_799 : i32 to vector<16xi32>
        %add3A_801 = arith.addi %get3A_112, %add3A_800 : vector<16xi32>
        %gather3A_802 = tpu.vector_load_idx %arg5[%add3A_801] : memref<6656xf32, #tpu.memory_space<vmem>>[vector<16xi32>], vector<16xf32>,
        %add3A_803 = arith.constant 6344 : i32
        %add3A_804 = vector.broadcast %add3A_803 : i32 to vector<16xi32>
        %add3A_805 = arith.addi %get3A_112, %add3A_804 : vector<16xi32>
        %gather3A_806 = tpu.vector_load_idx %arg5[%add3A_805] : memref<6656xf32, #tpu.memory_space<vmem>>[vector<16xi32>], vector<16xf32>,
        %add3A_807 = arith.constant 6448 : i32
        %add3A_808 = vector.broadcast %add3A_807 : i32 to vector<16xi32>
        %add3A_809 = arith.addi %get3A_112, %add3A_808 : vector<16xi32>
        %gather3A_810 = tpu.vector_load_idx %arg5[%add3A_809] : memref<6656xf32, #tpu.memory_space<vmem>>[vector<16xi32>], vector<16xf32>,
        %add3A_811 = arith.constant 6552 : i32
        %add3A_812 = vector.broadcast %add3A_811 : i32 to vector<16xi32>
        %add3A_813 = arith.addi %get3A_112, %add3A_812 : vector<16xi32>
        %gather3A_814 = tpu.vector_load_idx %arg5[%add3A_813] : memref<6656xf32, #tpu.memory_space<vmem>>[vector<16xi32>], vector<16xf32>,
        %mul3A_815 = arith.constant 16 : i32
        %mul3A_816 = arith.muli %mul3A_815, %scan3A_108 : i32
        %swap3A_817 = arith.constant 1 : i32
        %swap3A_818 = arith.constant 56 : i32
        %swap3A_819 = arith.index_cast %swap3A_817 : i32 to index
        %swap3A_820 = arith.index_cast %swap3A_818 : i32 to index
        %swap3A_821 = arith.index_cast %mul3A_816 : i32 to index
        %swap3A_822 = tpu.vector_load %arg7[%swap3A_819, %swap3A_820, %swap3A_821] {strides = array<i32>} : memref<2x64x512xf32, #tpu.memory_space<vmem>>, vector<16xf32>,
        tpu.vector_store %arg7[%swap3A_819, %swap3A_820, %swap3A_821], %gather3A_786 {strides = array<i32>} : memref<2x64x512xf32, #tpu.memory_space<vmem>>, vector<16xf32>,
        %mul3A_823 = arith.constant 16 : i32
        %mul3A_824 = arith.muli %mul3A_823, %scan3A_108 : i32
        %swap3A_825 = arith.constant 1 : i32
        %swap3A_826 = arith.constant 57 : i32
        %swap3A_827 = arith.index_cast %swap3A_825 : i32 to index
        %swap3A_828 = arith.index_cast %swap3A_826 : i32 to index
        %swap3A_829 = arith.index_cast %mul3A_824 : i32 to index
        %swap3A_830 = tpu.vector_load %arg7[%swap3A_827, %swap3A_828, %swap3A_829] {strides = array<i32>} : memref<2x64x512xf32, #tpu.memory_space<vmem>>, vector<16xf32>,
        tpu.vector_store %arg7[%swap3A_827, %swap3A_828, %swap3A_829], %gather3A_790 {strides = array<i32>} : memref<2x64x512xf32, #tpu.memory_space<vmem>>, vector<16xf32>,
        %mul3A_831 = arith.constant 16 : i32
        %mul3A_832 = arith.muli %mul3A_831, %scan3A_108 : i32
        %swap3A_833 = arith.constant 1 : i32
        %swap3A_834 = arith.constant 58 : i32
        %swap3A_835 = arith.index_cast %swap3A_833 : i32 to index
        %swap3A_836 = arith.index_cast %swap3A_834 : i32 to index
        %swap3A_837 = arith.index_cast %mul3A_832 : i32 to index
        %swap3A_838 = tpu.vector_load %arg7[%swap3A_835, %swap3A_836, %swap3A_837] {strides = array<i32>} : memref<2x64x512xf32, #tpu.memory_space<vmem>>, vector<16xf32>,
        tpu.vector_store %arg7[%swap3A_835, %swap3A_836, %swap3A_837], %gather3A_794 {strides = array<i32>} : memref<2x64x512xf32, #tpu.memory_space<vmem>>, vector<16xf32>,
        %mul3A_839 = arith.constant 16 : i32
        %mul3A_840 = arith.muli %mul3A_839, %scan3A_108 : i32
        %swap3A_841 = arith.constant 1 : i32
        %swap3A_842 = arith.constant 59 : i32
        %swap3A_843 = arith.index_cast %swap3A_841 : i32 to index
        %swap3A_844 = arith.index_cast %swap3A_842 : i32 to index
        %swap3A_845 = arith.index_cast %mul3A_840 : i32 to index
        %swap3A_846 = tpu.vector_load %arg7[%swap3A_843, %swap3A_844, %swap3A_845] {strides = array<i32>} : memref<2x64x512xf32, #tpu.memory_space<vmem>>, vector<16xf32>,
        tpu.vector_store %arg7[%swap3A_843, %swap3A_844, %swap3A_845], %gather3A_798 {strides = array<i32>} : memref<2x64x512xf32, #tpu.memory_space<vmem>>, vector<16xf32>,
        %mul3A_847 = arith.constant 16 : i32
        %mul3A_848 = arith.muli %mul3A_847, %scan3A_108 : i32
        %swap3A_849 = arith.constant 1 : i32
        %swap3A_850 = arith.constant 60 : i32
        %swap3A_851 = arith.index_cast %swap3A_849 : i32 to index
        %swap3A_852 = arith.index_cast %swap3A_850 : i32 to index
        %swap3A_853 = arith.index_cast %mul3A_848 : i32 to index
        %swap3A_854 = tpu.vector_load %arg7[%swap3A_851, %swap3A_852, %swap3A_853] {strides = array<i32>} : memref<2x64x512xf32, #tpu.memory_space<vmem>>, vector<16xf32>,
        tpu.vector_store %arg7[%swap3A_851, %swap3A_852, %swap3A_853], %gather3A_802 {strides = array<i32>} : memref<2x64x512xf32, #tpu.memory_space<vmem>>, vector<16xf32>,
        %mul3A_855 = arith.constant 16 : i32
        %mul3A_856 = arith.muli %mul3A_855, %scan3A_108 : i32
        %swap3A_857 = arith.constant 1 : i32
        %swap3A_858 = arith.constant 61 : i32
        %swap3A_859 = arith.index_cast %swap3A_857 : i32 to index
        %swap3A_860 = arith.index_cast %swap3A_858 : i32 to index
        %swap3A_861 = arith.index_cast %mul3A_856 : i32 to index
        %swap3A_862 = tpu.vector_load %arg7[%swap3A_859, %swap3A_860, %swap3A_861] {strides = array<i32>} : memref<2x64x512xf32, #tpu.memory_space<vmem>>, vector<16xf32>,
        tpu.vector_store %arg7[%swap3A_859, %swap3A_860, %swap3A_861], %gather3A_806 {strides = array<i32>} : memref<2x64x512xf32, #tpu.memory_space<vmem>>, vector<16xf32>,
        %mul3A_863 = arith.constant 16 : i32
        %mul3A_864 = arith.muli %mul3A_863, %scan3A_108 : i32
        %swap3A_865 = arith.constant 1 : i32
        %swap3A_866 = arith.constant 62 : i32
        %swap3A_867 = arith.index_cast %swap3A_865 : i32 to index
        %swap3A_868 = arith.index_cast %swap3A_866 : i32 to index
        %swap3A_869 = arith.index_cast %mul3A_864 : i32 to index
        %swap3A_870 = tpu.vector_load %arg7[%swap3A_867, %swap3A_868, %swap3A_869] {strides = array<i32>} : memref<2x64x512xf32, #tpu.memory_space<vmem>>, vector<16xf32>,
        tpu.vector_store %arg7[%swap3A_867, %swap3A_868, %swap3A_869], %gather3A_810 {strides = array<i32>} : memref<2x64x512xf32, #tpu.memory_space<vmem>>, vector<16xf32>,
        %mul3A_871 = arith.constant 16 : i32
        %mul3A_872 = arith.muli %mul3A_871, %scan3A_108 : i32
        %swap3A_873 = arith.constant 1 : i32
        %swap3A_874 = arith.constant 63 : i32
        %swap3A_875 = arith.index_cast %swap3A_873 : i32 to index
        %swap3A_876 = arith.index_cast %swap3A_874 : i32 to index
        %swap3A_877 = arith.index_cast %mul3A_872 : i32 to index
        %swap3A_878 = tpu.vector_load %arg7[%swap3A_875, %swap3A_876, %swap3A_877] {strides = array<i32>} : memref<2x64x512xf32, #tpu.memory_space<vmem>>, vector<16xf32>,
        tpu.vector_store %arg7[%swap3A_875, %swap3A_876, %swap3A_877], %gather3A_814 {strides = array<i32>} : memref<2x64x512xf32, #tpu.memory_space<vmem>>, vector<16xf32>,
      }
      %scan3A_89 = arith.constant 32 : i32
      %dma_start3A_90 = arith.constant 1 : i32
      %dma_start3A_91 = arith.constant 1 : i32
      %dma_start3A_92 = arith.constant 0 : i32
      %dma_start3A_93 = arith.constant 0 : i32
      %dma_start3A_94 = tpu.memref_slice %arg7[%dma_start3A_90, %dma_start3A_92, %dma_start3A_93] : memref<2x64x512xf32, #tpu.memory_space<vmem>> -> memref<1x64x512xf32, #tpu.memory_space<vmem>>
      %dma_start3A_95 = tpu.memref_squeeze %dma_start3A_94 : memref<1x64x512xf32, #tpu.memory_space<vmem>> -> memref<64x512xf32, #tpu.memory_space<vmem>>
      %dma_start3A_96 = arith.constant 0 : i32
      %dma_start3A_97 = tpu.memref_slice %arg4[%add3A_78, %dma_start3A_96, %mul3A_2] : memref<50x64x16384xf32, #tpu.memory_space<hbm>> -> memref<1x64x512xf32, #tpu.memory_space<hbm>>
      %dma_start3A_98 = tpu.memref_squeeze %dma_start3A_97 : memref<1x64x512xf32, #tpu.memory_space<hbm>> -> memref<64x512xf32, #tpu.memory_space<hbm>>
      %dma_start3A_99 = tpu.memref_slice %arg8[%dma_start3A_91] : memref<2x!tpu.dma_semaphore, #tpu.memory_space<semaphore_mem>> -> memref<1x!tpu.dma_semaphore, #tpu.memory_space<semaphore_mem>>
      %dma_start3A_100 = tpu.memref_squeeze %dma_start3A_99 : memref<1x!tpu.dma_semaphore, #tpu.memory_space<semaphore_mem>> -> memref<!tpu.dma_semaphore, #tpu.memory_space<semaphore_mem>>
      %dma_start3A_101 = arith.constant 0 : i32
      %dma_start3A_102 = tpu.memref_slice %arg4[%add3A_78, %dma_start3A_101, %mul3A_2] : memref<50x64x16384xf32, #tpu.memory_space<hbm>> -> memref<1x64x512xf32, #tpu.memory_space<hbm>>
      %dma_start3A_103 = tpu.memref_squeeze %dma_start3A_102 : memref<1x64x512xf32, #tpu.memory_space<hbm>> -> memref<64x512xf32, #tpu.memory_space<hbm>>
      %dma_start3A_104 = arith.constant 0 : i32
      %dma_start3A_105 = arith.constant 0 : i32
      %dma_start3A_106 = tpu.memref_slice %arg7[%dma_start3A_90, %dma_start3A_104, %dma_start3A_105] : memref<2x64x512xf32, #tpu.memory_space<vmem>> -> memref<1x64x512xf32, #tpu.memory_space<vmem>>
      %dma_start3A_107 = tpu.memref_squeeze %dma_start3A_106 : memref<1x64x512xf32, #tpu.memory_space<vmem>> -> memref<64x512xf32, #tpu.memory_space<vmem>>
      tpu.enqueue_dma source(%dma_start3A_107 : memref<64x512xf32, #tpu.memory_space<vmem>>) target(%dma_start3A_103 : memref<64x512xf32, #tpu.memory_space<hbm>>) target_semaphore(%dma_start3A_100 : memref<!tpu.dma_semaphore, #tpu.memory_space<semaphore_mem>>)
    }
    %scan3A_7 = arith.constant 25 : i32
    %dma_wait3A = arith.constant 0 : i32
    %dma_wait3A_8 = arith.constant 48 : i32
    %dma_wait3A_9 = arith.constant 0 : i32
    %dma_wait3A_10 = arith.constant 0 : i32
    %dma_wait3A_11 = arith.constant 0 : i32
    %dma_wait3A_12 = tpu.memref_slice %arg7[%dma_wait3A, %dma_wait3A_10, %dma_wait3A_11] : memref<2x64x512xf32, #tpu.memory_space<vmem>> -> memref<1x64x512xf32, #tpu.memory_space<vmem>>
    %dma_wait3A_13 = tpu.memref_squeeze %dma_wait3A_12 : memref<1x64x512xf32, #tpu.memory_space<vmem>> -> memref<64x512xf32, #tpu.memory_space<vmem>>
    %dma_wait3A_14 = arith.constant 0 : i32
    %dma_wait3A_15 = tpu.memref_slice %arg4[%dma_wait3A_8, %dma_wait3A_14, %mul3A_2] : memref<50x64x16384xf32, #tpu.memory_space<hbm>> -> memref<1x64x512xf32, #tpu.memory_space<hbm>>
    %dma_wait3A_16 = tpu.memref_squeeze %dma_wait3A_15 : memref<1x64x512xf32, #tpu.memory_space<hbm>> -> memref<64x512xf32, #tpu.memory_space<hbm>>
    %dma_wait3A_17 = tpu.memref_slice %arg8[%dma_wait3A_9] : memref<2x!tpu.dma_semaphore, #tpu.memory_space<semaphore_mem>> -> memref<1x!tpu.dma_semaphore, #tpu.memory_space<semaphore_mem>>
    %dma_wait3A_18 = tpu.memref_squeeze %dma_wait3A_17 : memref<1x!tpu.dma_semaphore, #tpu.memory_space<semaphore_mem>> -> memref<!tpu.dma_semaphore, #tpu.memory_space<semaphore_mem>>
    %dma_wait3A_19 = arith.constant 0 : i32
    %dma_wait3A_20 = tpu.memref_slice %arg4[%dma_wait3A_8, %dma_wait3A_19, %mul3A_2] : memref<50x64x16384xf32, #tpu.memory_space<hbm>> -> memref<1x64x512xf32, #tpu.memory_space<hbm>>
    %dma_wait3A_21 = tpu.memref_squeeze %dma_wait3A_20 : memref<1x64x512xf32, #tpu.memory_space<hbm>> -> memref<64x512xf32, #tpu.memory_space<hbm>>
    %dma_wait3A_22 = arith.constant 0 : i32
    %dma_wait3A_23 = arith.constant 0 : i32
    %dma_wait3A_24 = tpu.memref_slice %arg7[%dma_wait3A, %dma_wait3A_22, %dma_wait3A_23] : memref<2x64x512xf32, #tpu.memory_space<vmem>> -> memref<1x64x512xf32, #tpu.memory_space<vmem>>
    %dma_wait3A_25 = tpu.memref_squeeze %dma_wait3A_24 : memref<1x64x512xf32, #tpu.memory_space<vmem>> -> memref<64x512xf32, #tpu.memory_space<vmem>>
    tpu.wait_dma2 semaphore(%dma_wait3A_18 : memref<!tpu.dma_semaphore, #tpu.memory_space<semaphore_mem>>) src(%dma_wait3A_25 : memref<64x512xf32, #tpu.memory_space<vmem>>) dst(%dma_wait3A_21 : memref<64x512xf32, #tpu.memory_space<hbm>>)
    %dma_wait3A_26 = arith.constant 1 : i32
    %dma_wait3A_27 = arith.constant 49 : i32
    %dma_wait3A_28 = arith.constant 1 : i32
    %dma_wait3A_29 = arith.constant 0 : i32
    %dma_wait3A_30 = arith.constant 0 : i32
    %dma_wait3A_31 = tpu.memref_slice %arg7[%dma_wait3A_26, %dma_wait3A_29, %dma_wait3A_30] : memref<2x64x512xf32, #tpu.memory_space<vmem>> -> memref<1x64x512xf32, #tpu.memory_space<vmem>>
    %dma_wait3A_32 = tpu.memref_squeeze %dma_wait3A_31 : memref<1x64x512xf32, #tpu.memory_space<vmem>> -> memref<64x512xf32, #tpu.memory_space<vmem>>
    %dma_wait3A_33 = arith.constant 0 : i32
    %dma_wait3A_34 = tpu.memref_slice %arg4[%dma_wait3A_27, %dma_wait3A_33, %mul3A_2] : memref<50x64x16384xf32, #tpu.memory_space<hbm>> -> memref<1x64x512xf32, #tpu.memory_space<hbm>>
    %dma_wait3A_35 = tpu.memref_squeeze %dma_wait3A_34 : memref<1x64x512xf32, #tpu.memory_space<hbm>> -> memref<64x512xf32, #tpu.memory_space<hbm>>
    %dma_wait3A_36 = tpu.memref_slice %arg8[%dma_wait3A_28] : memref<2x!tpu.dma_semaphore, #tpu.memory_space<semaphore_mem>> -> memref<1x!tpu.dma_semaphore, #tpu.memory_space<semaphore_mem>>
    %dma_wait3A_37 = tpu.memref_squeeze %dma_wait3A_36 : memref<1x!tpu.dma_semaphore, #tpu.memory_space<semaphore_mem>> -> memref<!tpu.dma_semaphore, #tpu.memory_space<semaphore_mem>>
    %dma_wait3A_38 = arith.constant 0 : i32
    %dma_wait3A_39 = tpu.memref_slice %arg4[%dma_wait3A_27, %dma_wait3A_38, %mul3A_2] : memref<50x64x16384xf32, #tpu.memory_space<hbm>> -> memref<1x64x512xf32, #tpu.memory_space<hbm>>
    %dma_wait3A_40 = tpu.memref_squeeze %dma_wait3A_39 : memref<1x64x512xf32, #tpu.memory_space<hbm>> -> memref<64x512xf32, #tpu.memory_space<hbm>>
    %dma_wait3A_41 = arith.constant 0 : i32
    %dma_wait3A_42 = arith.constant 0 : i32
    %dma_wait3A_43 = tpu.memref_slice %arg7[%dma_wait3A_26, %dma_wait3A_41, %dma_wait3A_42] : memref<2x64x512xf32, #tpu.memory_space<vmem>> -> memref<1x64x512xf32, #tpu.memory_space<vmem>>
    %dma_wait3A_44 = tpu.memref_squeeze %dma_wait3A_43 : memref<1x64x512xf32, #tpu.memory_space<vmem>> -> memref<64x512xf32, #tpu.memory_space<vmem>>
    tpu.wait_dma2 semaphore(%dma_wait3A_37 : memref<!tpu.dma_semaphore, #tpu.memory_space<semaphore_mem>>) src(%dma_wait3A_44 : memref<64x512xf32, #tpu.memory_space<vmem>>) dst(%dma_wait3A_40 : memref<64x512xf32, #tpu.memory_space<hbm>>)
    return
  }
}

module attributes {stable_mosaic.version = 14 : i64} {
  func.func @_table_body(%arg0: memref<1x1xf32, #tpu.memory_space<smem>>, %arg1: memref<104x64xf32, #tpu.memory_space<vmem>>, %arg2: memref<104x64xf32, #tpu.memory_space<vmem>>) attributes {dimension_semantics = [], scalar_prefetch = 0 : i64, scratch_operands = 0 : i64, tpu.core_type = #tpu.core_type<tc>} {
    %get3A = arith.constant 0 : index
    %get3A_0 = arith.constant 0 : index
    %get3A_1 = memref.load %arg0[%get3A, %get3A_0] : memref<1x1xf32, #tpu.memory_space<smem>>
    %jit3A = arith.constant 1.000000e-01 : f32
    %jit3A_2 = arith.constant 1.000000e+01 : f32
    %max3A = arith.maximumf %jit3A, %get3A_1 : f32
    %min3A = arith.minimumf %jit3A_2, %max3A : f32
    %add3A = arith.constant 9.99999993E-9 : f32
    %add3A_3 = arith.addf %min3A, %add3A : f32
    %sqrt3A = math.sqrt %add3A_3 : f32
    %get3A_4 = arith.constant 0 : index
    %get3A_5 = arith.constant 0 : index
    %get3A_6 = vector.load %arg1[%get3A_4, %get3A_5] : memref<104x64xf32, #tpu.memory_space<vmem>>, vector<104x64xf32>
    %mul3A = arith.mulf %get3A_6, %get3A_6 : vector<104x64xf32>
    %reduce_sum3A = arith.constant dense<0.000000e+00> : vector<104xf32>
    %reduce_sum3A_7 = vector.multi_reduction <add>, %mul3A, %reduce_sum3A [1] : vector<104x64xf32> to vector<104xf32>
    %broadcast_in_dim3A = vector.shape_cast %reduce_sum3A_7 : vector<104xf32> to vector<104x1xf32>
    %sqrt3A_8 = math.sqrt %broadcast_in_dim3A : vector<104x1xf32>
    %add3A_9 = arith.constant 9.99999993E-9 : f32
    %add3A_10 = vector.broadcast %add3A_9 : f32 to vector<104x1xf32>
    %add3A_11 = arith.addf %sqrt3A_8, %add3A_10 : vector<104x1xf32>
    %mul3A_12 = vector.broadcast %sqrt3A : f32 to vector<104x1xf32>
    %mul3A_13 = arith.mulf %mul3A_12, %add3A_11 : vector<104x1xf32>
    %tanh3A = math.tanh %mul3A_13 : vector<104x1xf32>
    %mul3A_14 = vector.broadcast %tanh3A : vector<104x1xf32> to vector<104x64xf32>
    %mul3A_15 = arith.mulf %mul3A_14, %get3A_6 : vector<104x64xf32>
    %add3A_16 = arith.constant 9.99999993E-9 : f32
    %add3A_17 = vector.broadcast %add3A_16 : f32 to vector<104x1xf32>
    %add3A_18 = arith.addf %add3A_11, %add3A_17 : vector<104x1xf32>
    %div3A = vector.broadcast %add3A_18 : vector<104x1xf32> to vector<104x64xf32>
    %div3A_19 = arith.divf %mul3A_15, %div3A : vector<104x64xf32>
    %swap3A = arith.constant 0 : index
    %swap3A_20 = arith.constant 0 : index
    %swap3A_21 = vector.load %arg2[%swap3A, %swap3A_20] : memref<104x64xf32, #tpu.memory_space<vmem>>, vector<104x64xf32>
    tpu.vector_store %arg2[%swap3A, %swap3A_20], %div3A_19 {strides = array<i32>} : memref<104x64xf32, #tpu.memory_space<vmem>>, vector<104x64xf32>,
    return
  }
}

</mosaic_0001>

<sc_bundles>
// kernel: kernel.4.cloned.1.call-start
scs
__scs_entry_jumppad:
0x0: {  	(pc) =	sbr.rel $0x88, $3  }
0x1: {  	(tag) =	ssettag $0x0;
	lr =	simm.s32 $0x1  }
0x2: {  	[smem:$0x3F9E] =	sst lr;
	_ =	strace $0xD0000000  }
0x3: {  	_ = 	snop  }
0x4: {  	_ = 	snop  }
0x5: {  	_ = 	snop  }
0x6: {  	_ = 	snop  }
0x7: {  	_ = 	snop  }
__scs_overlays_trampoline_lowered:
0x8: {  	[smem:$0x3FAD] =	sst s0  }
0x9: {  	[smem:$0x3FAE] =	sst s1  }
0xa: {  	[smem:$0x3FAF] =	sst s2  }
0xb: {  	[smem:$0x3FB0] =	sst s3  }
0xc: {  	[smem:$0x3FB1] =	sst s4  }
0xd: {  	[smem:$0x3FB2] =	sst s5  }
0xe: {  	[smem:$0x3FB3] =	sst s6  }
0xf: {  	[smem:$0x3FB4] =	sst s7  }
0x10: {  	[smem:$0x3FB5] =	sst s8  }
0x11: {  	[smem:$0x3FB6] =	sst s9;
	s0 =	simm.s32 @!p0 $0x0  }
0x12: {  	s1 =	sld [smem:$0x3F9C];
	s0 =	simm.s32 @p0 $0x1  }
0x13: {  	[smem:$0x3FB7] =	sst s0;
	s0 =	simm.s32 @!p1 $0x0  }
0x14: {  	s2 =	sld [smem:$0x3F9B];
	s0 =	simm.s32 @p1 $0x1  }
0x15: {  	[smem:$0x3FB8] =	sst s0;
	s0 =	simm.s32 @!p2 $0x0  }
0x16: {  	s3 =	sld [smem:$0x3FDB];
	s0 =	simm.s32 @p2 $0x1  }
0x17: {  	s4 =	simm.s32 $0x1BF5;
	[smem:$0x3FBA] =	sst s0  }
0x18: {  	s0 =	sld [smem:$0x3F9D];
	_ =	swait.ge [sflag:s4], $0x0  }
0x19: {  	s7 =	sld [smem:$0x3F9E]  }
0x1a: {  	s8 =	sadd.s32 $0xFFFFE003, lr  }
0x1b: {  	s9 =	sadd.s32 $0xFFFFFEF7, lr;
	s5 =	simm.s32 $0xFFFFFFFF;
	p2 =	slt.u32 s8, $0xFFFFF086  }
0x1c: {  	p1 =	slt.u32 s9, $0xF7A;
	s5 =	simm.s32 @!p2 $0x0  }
0x1d: {  	s5 =	simm.s32 @p1 $0x1;
	p0 =	seq.s32 s7, s2  }
0x1e: {  	s7 =	smul.u32 @!p0 $0xF7A, s2;
	p2 =	seq.s32 @!p0 s5, $0x0  }
0x1f: {  	s9 =	smul.u32 $0xF7A, s1;
	s8 =	simm.s32 @!p0 $0x1BF5;
	p2 =	por !p2, p0  }
0x20: {  	[sflag:s8] =	ssyncset.s32 @!p0 $0xFFFFF086;
	s6 =	sadd.s32 @!p0 s3, s7;
	s7 =	simm.s32 @!p0 $0x108  }
0x21: {  	s3 =	sadd.s32 s3, s9;
	s6 =	sadd.s32 @!p0 $0x88, s6;
	s7 =	simm.s32 @p2 $0x1082  }
0x22: {  	[simem:s7], [sflag:s8] =	dma.local @!p0 [hbm:s6], $0xF7A  }
0x23: {  	s9 =	sor.u32 $0xD0000000, s2;
	s6 =	simm.s32 $0x108;
	_ =	swait.ge @!p0 [sflag:s8], $0x0  }
0x24: {  	s3 =	sadd.s32 $0x88, s3;
	s6 =	simm.s32 @!p1 $0x1082;
	[sflag:s4] =	ssyncset.s32 $0xFFFFF086  }
0x25: {  	[simem:s6], [sflag:s4] =	dma.local [hbm:s3], $0xF7A  }
0x26: {  	[smem:$0x3F9E] =	sst s1;
	(tag) =	ssettag s2;
	_ =	strace s9  }
0x27: {  	s1 =	sld [smem:$0x3FAE]  }
0x28: {  	s2 =	sld [smem:$0x3FAF]  }
0x29: {  	s4 =	sld [smem:$0x3FB1]  }
0x2a: {  	p0 =	seq.s32 s5, $0x0;
	s5 =	sld [smem:$0x3FB2]  }
0x2b: {  	s6 =	sld [smem:$0x3FB3]  }
0x2c: {  	s7 =	sld [smem:$0x3FB4]  }
0x2d: {  	s3 =	simm.s32 $0x108;
	s8 =	sld [smem:$0x3FB5]  }
0x2e: {  	s3 =	simm.s32 @!p0 $0x1082;
	s9 =	sld [smem:$0x3FB6]  }
0x2f: {  	lr =	sadd.s32 s0, s3;
	s0 =	sld [smem:$0x3FAD]  }
0x30: {  	s3 =	sld [smem:$0x3FB0]  }
0x31: {  	[smem:$0x3FB9] =	sst s10  }
0x32: {  	s10 =	sld [smem:$0x3FB7];
	_ =	sdelay $0x3  }
0x33: {  	p0 =	seq.s32 s10, $0x1;
	s10 =	sld [smem:$0x3FB9];
	_ =	sdelay $0x3  }
0x34: {  	[smem:$0x3FB9] =	sst s10  }
0x35: {  	s10 =	sld [smem:$0x3FB8];
	_ =	sdelay $0x3  }
0x36: {  	p1 =	seq.s32 s10, $0x1;
	s10 =	sld [smem:$0x3FB9];
	_ =	sdelay $0x3  }
0x37: {  	[smem:$0x3FB9] =	sst s10  }
0x38: {  	s10 =	sld [smem:$0x3FBA]  }
0x39: {  	_ = 	snop;
	(pc) =	sbr.ind lr, $3  }
0x3a: {  	_ = 	snop  }
0x3b: {  	_ = 	snop  }
0x3c: {  	p2 =	seq.s32 s10, $0x1;
	s10 =	sld [smem:$0x3FB9]  }
0x3d: {  	_ =	shalt  }
0x3e: {  	_ =	shalt  }
0x3f: {  	_ =	shalt  }
0x40: {  	_ =	shalt  }
0x41: {  	_ =	shalt  }
0x42: {  	_ =	shalt  }
0x43: {  	_ =	shalt  }
0x44: {  	_ =	shalt  }
0x45: {  	_ =	shalt  }
0x46: {  	_ =	shalt  }
0x47: {  	_ =	shalt  }
0x48: {  	_ =	shalt  }
0x49: {  	_ =	shalt  }
0x4a: {  	_ =	shalt  }
0x4b: {  	_ =	shalt  }
0x4c: {  	_ =	shalt  }
0x4d: {  	_ =	shalt  }
0x4e: {  	_ =	shalt  }
0x4f: {  	_ =	shalt  }
0x50: {  	_ =	shalt  }
0x51: {  	_ =	shalt  }
0x52: {  	_ =	shalt  }
0x53: {  	_ =	shalt  }
0x54: {  	_ =	shalt  }
0x55: {  	_ =	shalt  }
0x56: {  	_ =	shalt  }
0x57: {  	_ =	shalt  }
0x58: {  	_ =	shalt  }
0x59: {  	_ =	shalt  }
0x5a: {  	_ =	shalt  }
0x5b: {  	_ =	shalt  }
0x5c: {  	_ =	shalt  }
0x5d: {  	_ =	shalt  }
0x5e: {  	_ =	shalt  }
0x5f: {  	_ =	shalt  }
0x60: {  	_ =	shalt  }
0x61: {  	_ =	shalt  }
0x62: {  	_ =	shalt  }
0x63: {  	_ =	shalt  }
0x64: {  	_ =	shalt  }
0x65: {  	_ =	shalt  }
0x66: {  	_ =	shalt  }
0x67: {  	_ =	shalt  }
0x68: {  	_ =	shalt  }
0x69: {  	_ =	shalt  }
0x6a: {  	_ =	shalt  }
0x6b: {  	_ =	shalt  }
0x6c: {  	_ =	shalt  }
0x6d: {  	_ =	shalt  }
0x6e: {  	_ =	shalt  }
0x6f: {  	_ =	shalt  }
0x70: {  	_ =	shalt  }
0x71: {  	_ =	shalt  }
0x72: {  	_ =	shalt  }
0x73: {  	_ =	shalt  }
0x74: {  	_ =	shalt  }
0x75: {  	_ =	shalt  }
0x76: {  	_ =	shalt  }
0x77: {  	_ =	shalt  }
0x78: {  	_ =	shalt  }
0x79: {  	_ =	shalt  }
0x7a: {  	_ =	shalt  }
0x7b: {  	_ =	shalt  }
0x7c: {  	_ =	shalt  }
0x7d: {  	_ =	shalt  }
0x7e: {  	_ =	shalt  }
0x7f: {  	_ =	shalt  }
0x80: {  	_ =	shalt  }
0x81: {  	_ =	shalt  }
0x82: {  	_ =	shalt  }
0x83: {  	_ =	shalt  }
0x84: {  	_ =	shalt  }
0x85: {  	_ =	shalt  }
0x86: {  	_ =	shalt  }
0x87: {  	_ =	shalt  }
.Lfunc_end0:
.L_simem_size_0:
called_computation_lowered:
.L_overlay_start_0:
0x88: {  	s2 =	sld [smem:$0x3FD9]  }
0x89: {  	s3 =	sld [smem:$0x3FFE];
	_ =	sdelay $0x1  }
0x8a: {  	s1 =	srdreg.scid  }
0x8b: {  	s0 =	sand.u32 $0x1, s1  }
0x8c: {  	s17 =	sshll.u32 s0, $0xA;
	s2 =	sadd.s32 s3, s2  }
0x8d: {  	s2 =	sadd.s32 s2, s17  }
0x8e: {  	[smem:$0x3FC5] =	sst s2  }
0x8f: {  	_ = 	snop  }
0x90: {  	s2 =	sld [smem:$0x3FD0];
	(tm) =	ssettm $0x1  }
0x91: {  	s18 =	sld [smem:$0x3FFB];
	_ =	sdelay $0x3  }
0x92: {  	_ =	strace s18  }
0x93: {  	s3 =	sld [smem:$0x3FFC];
	_ =	sdelay $0x3  }
0x94: {  	_ =	strace s3  }
0x95: {  	s3 =	sld [smem:$0x3FFD];
	_ =	sdelay $0x3  }
0x96: {  	_ =	strace s3  }
0x97: {  	_ =	strace $0x8FFFFFFF  }
0x98: {  	s19 =	sld [smem:$0x3FDB];
	_ =	sdelay $0x1  }
0x99: {  	s4 =	simm.s32 $_scs_section_size  }
0x9a: {  	s5 =	simm.s32 $_size__tile_overlayer_lowered;
	s6 =	simm.s32 $_tile_overlayer_lowered  }
0x9b: {  	s22 =	simm.s32 $0x1BFF;
	s21 =	sshll.u32 s6, $0x1;
	s3 =	sadd.s32 s4, s19  }
0x9c: {  	s7 =	simm.s32 $0x0;
	s20 =	sshll.u32 s5, $0x1;
	s5 =	sadd.s32 s21, s3  }
0x9d: {  	[timem:s7], [sflag:s22] =	dma.local [hbm:s5], s20  }
0x9e: {  	_ =	swait.ge [sflag:s22], s20  }
0x9f: {  	s4 =	ssub.s32 $0x0, s20;
	[sflag:s22] =	ssyncset.done $0x0  }
0xa0: {  	[sflag:s22] =	ssyncadd.s32 s4;
	_ =	sdelay $0x1  }
0xa1: {  	s23 =	simm.s32 $0x1B8B  }
0xa2: {  	_ =	swait.ge [sflag:s23], $0x1  }
0xa3: {  	[sflag:s23] =	ssyncset.done $0x0  }
0xa4: {  	s25 =	simm.s32 $0x1B8E;
	s24 =	sld [smem:$0x3FFE];
	[sflag:s23] =	ssyncadd.s32 $0xFFFFFFFF  }
0xa5: {  	s26 =	simm.s32 $execute0_lowered;
	[smem:$0x3FD2] =	sst s25  }
0xa6: {  	s5 =	sshll.u32 s26, $0x1;
	_ =	strace $0x80000046;
	[dreg:$0x1] =	wrdreg $0xFFFFFFFF  }
0xa7: {  	s28 =	simm.s32 $_size_execute0_lowered;
	s3 =	sadd.s32 s3, s5;
	[dreg:$0x0] =	wrdreg $0x0  }
0xa8: {  	s5 =	sshll.u32 s28, $0x1;
	[dreg:$0x2] =	wrdreg s3  }
0xa9: {  	[dreg:$0x3] =	wrdreg s5  }
0xaa: {  	[dreg:$0x4] =	wrdreg $0xC0  }
0xab: {  	_ =	task [dreg:s7], $0x5FFFF  }
0xac: {  	[dreg:$0x1] =	wrdreg $0xFFFFFFFF  }
0xad: {  	[dreg:$0x0] =	wrdreg $0x60  }
0xae: {  	[dreg:$0x2] =	wrdreg s24  }
0xaf: {  	[dreg:$0x3] =	wrdreg s2  }
0xb0: {  	[dreg:$0x4] =	wrdreg $0x9  }
0xb1: {  	_ =	task.clear_ibuf [dreg:s7], $0x5FFFF;
	_ =	strace $0x90000046  }
0xb2: {  	s29 =	simm.s32 $0x9;
	_ =	strace $0x80000048  }
0xb3: {  	_ =	swait.ge [sflag:s29], $0x1  }
0xb4: {  	[sflag:s29] =	ssyncadd.s32 $0xFFFFFFFF  }
0xb5: {  	_ =	strace $0x90000048  }
0xb6: {  	_ =	sfence  }
0xb7: {  	s30 =	sld [smem:$0x0];
	_ =	sdelay $0x2  }
0xb8: {  	s31 =	sshll.u32 s1, $0xD;
	s1 =	sshrl.u32 s1, $0x2  }
0xb9: {  	s3 =	sand.u32 $0x4000, s31;
	s1 =	sadd.s32 s1, s30  }
0xba: {  	s0 =	sor.u32 s3, s0;
	s1 =	sshll.u32 s1, $0x11  }
0xbb: {  	s0 =	sor.u32 s1, s0  }
0xbc: {  	s0 =	sadd.s32 $0x8F2B, s0  }
0xbd: {  	[sflag:s0] =	ssyncadd.remote.s32 $0x1  }
0xbe: {  	_ =	sfence.sel $0xFFFF  }
0xbf: {  	[dreg:$0x0] =	wrdreg $0xFFFFFFFF;
	(pc) =	sbr.abs _section_cstart, $3  }
0xc0: {  	[dreg:$0x1] =	wrdreg $0xFFFFFFFF  }
0xc1: {  	_ =	task.clear_ibuf [dreg:s7], $0x2FFFF;
	_ =	strace $0x9FFFFFFF  }
0xc2: {  	(tm) =	ssettm $0x7FFFFFFF  }
0xc3: {  	_ =	shalt  }
tec
execute0_lowered:
.L_overlay_start_1:
0x0: {  	(tag) =	ssettag $0x1  }
0x1: {  	s5 =	rddreg [dreg:$0x0];
	s0 =	srdreg.scid  }
0x2: {  	s2 =	rddreg [dreg:$0x1];
	s1 =	stileid.u32;
	s3 =	simm.s32 $0x0  }
0x3: {  	s9 =	simm.s32 $0x1000;
	s10 =	simm.s32 $0x20000;
	s11 =	simm.s32 $0x1A00  }
0x4: {  	s12 =	simm.s32 $0x9A00;
	s13 =	simm.s32 $0x11A00;
	s14 =	simm.s32 $0x1  }
0x5: {  	s15 =	simm.s32 $0x2;
	s16 =	simm.s32 $0x0;
	s6 =	sand.u32 $0x1, s0  }
0x6: {  	s0 =	rddreg [dreg:$0x2];
	s4 =	sshll.u32 s1, $0xD;
	s7 =	sshll.u32 s6, $0xC  }
0x7: {  	[smem:$0x7FF] =	sst s3;
	s6 =	ssub.s32 $0x2, s6;
	s4 =	sor.u32 s7, s4  }
0x8: {  	_ =	strace $0x80000047;
	s8 =	sshrl.u32 s6, $0x1;
	s7 =	sshrl.u32 s4, $0x3  }
0x9: {  	s8 =	ssub.s32 s6, s8;
	s7 =	sadd.s32 s7, s5;
	s5 =	sadd.s32 $0x400, s5  }
0xa: {  	s6 =	sadd.s32 $0x800, s7;
	s7 =	smax.u32 s8, $0x1;
	s8 =	simm.s32 $0x3  }
.LBB2_1:
0xb: {  	[tilespmem:s3], [sflag:$0x3] =	stream.linear.gather [hbm4b:s5+s3], $0x1A00, $0x38;
	[tilespmem:$0x19A00] =	vst v63  }
0xc: {  	_ =	swait.ge [sflag:s8], $0x1A00  }
0xd: {  	[sflag:s8] =	ssyncset.done $0x0  }
0xe: {  	[sflag:s8] =	ssyncadd.s32 $0xFFFFE600  }
0xf: {  	[tilespmem:s11], [sflag:$0x3] =	stream.strided.gather [hbm4b:s6+s9], $0x8000, s10, s9, $0x38;
	[tilespmem:$0x19A00] =	vst v63  }
0x10: {  	_ =	swait.ge [sflag:s8], $0x8000  }
0x11: {  	[sflag:s8] =	ssyncset.done $0x0  }
0x12: {  	s17 =	simm.s32 $0x0;
	[sflag:s8] =	ssyncadd.s32 $0xFFFF8000  }
.LBB2_2:
0x13: {  	p0 =	seq.s32 s17, $0x0  }
0x14: {  	s19 =	simm.s32 @!p0 $0x1  }
0x15: {  	s18 =	sshll.u32 s17, $0x1;
	s20 =	sshll.u32 s17, $0xA;
	_ =	swait.ge @!p0 [sflag:s19], $0x8000  }
0x16: {  	s21 =	sshll.u32 s17, $0x8;
	s20 =	sand.u32 $0x7000, s20;
	[sflag:s19] =	ssyncset.done @!p0 $0x0  }
0x17: {  	s21 =	sand.u32 $0x300, s21;
	[sflag:s19] =	ssyncadd.s32 @!p0 $0xFFFF8000;
	s19 =	sadd.s32 $0x1A00, s20  }
0x18: {  	s22 =	simm.s32 $0x0;
	s20 =	sadd.s32 s21, s19;
	s21 =	simm.s32 $0x0  }
.LBB2_3:
0x19: {  	s23 =	sand.u32 $0xC00, s21  }
0x1a: {  	s24 =	sand.u32 $0x70, s22;
	s25 =	sadd.s32 s23, s20  }
0x1b: {  	s25 =	sadd.s32 s24, s25  }
0x1c: {  	v0 =	vld [tilespmem:s25+$0x0];
	_ =	sdelay $0x4  }
0x1d: {  	v1 =	vadd.s32 $0x68, v0  }
0x1e: {  	v2 =	vadd.s32 $0xD0, v0  }
0x1f: {  	v3 =	vadd.s32 $0x138, v0  }
0x20: {  	v4 =	vadd.s32 $0x1A0, v0  }
0x21: {  	v6 =	vadd.s32 $0x208, v0;
	v5 =	vld.idx.msk [tilespmem:v0+s3+$0x0], $0xffff  }
0x22: {  	v7 =	vadd.s32 $0x270, v0;
	v1 =	vld.idx.msk [tilespmem:v1+s3+$0x0], $0xffff  }
0x23: {  	v8 =	vadd.s32 $0x2D8, v0;
	v2 =	vld.idx.msk [tilespmem:v2+s3+$0x0], $0xffff  }
0x24: {  	v3 =	vld.idx.msk [tilespmem:v3+s3+$0x0], $0xffff  }
0x25: {  	v4 =	vld.idx.msk [tilespmem:v4+s3+$0x0], $0xffff  }
0x26: {  	v6 =	vld.idx.msk [tilespmem:v6+s3+$0x0], $0xffff  }
0x27: {  	s23 =	sor.u32 s24, s23;
	v7 =	vld.idx.msk [tilespmem:v7+s3+$0x0], $0xffff  }
0x28: {  	v8 =	vld.idx.msk [tilespmem:v8+s3+$0x0], $0xffff;
	[tilespmem:s23+$0x9A00] =	vst v5  }
0x29: {  	[tilespmem:s23+$0x9A80] =	vst v1  }
0x2a: {  	[tilespmem:s23+$0x9B00] =	vst v2  }
0x2b: {  	v9 =	vadd.s32 $0x340, v0;
	[tilespmem:s23+$0x9B80] =	vst v3  }
0x2c: {  	v10 =	vadd.s32 $0x3A8, v0;
	[tilespmem:s23+$0x9C00] =	vst v4  }
0x2d: {  	s31 =	sor.u32 s21, s22;
	v11 =	vadd.s32 $0x410, v0;
	[tilespmem:s23+$0x9C80] =	vst v6  }
0x2e: {  	s24 =	sor.u32 $0x380, s31;
	v12 =	vadd.s32 $0x478, v0;
	[tilespmem:s23+$0x9D00] =	vst v7  }
0x2f: {  	v13 =	vadd.s32 $0x4E0, v0;
	[tilespmem:s24+$0x9A00] =	vst v8  }
0x30: {  	v14 =	vadd.s32 $0x548, v0;
	v1 =	vld.idx.msk [tilespmem:v9+s3+$0x0], $0xffff  }
0x31: {  	v15 =	vadd.s32 $0x5B0, v0;
	v2 =	vld.idx.msk [tilespmem:v10+s3+$0x0], $0xffff  }
0x32: {  	v16 =	vadd.s32 $0x618, v0;
	v3 =	vld.idx.msk [tilespmem:v11+s3+$0x0], $0xffff  }
0x33: {  	v4 =	vld.idx.msk [tilespmem:v12+s3+$0x0], $0xffff  }
0x34: {  	v5 =	vld.idx.msk [tilespmem:v13+s3+$0x0], $0xffff  }
0x35: {  	v6 =	vld.idx.msk [tilespmem:v14+s3+$0x0], $0xffff  }
0x36: {  	v7 =	vld.idx.msk [tilespmem:v15+s3+$0x0], $0xffff  }
0x37: {  	v8 =	vld.idx.msk [tilespmem:v16+s3+$0x0], $0xffff;
	[tilespmem:s23+$0xAA00] =	vst v1  }
0x38: {  	[tilespmem:s23+$0xAA80] =	vst v2  }
0x39: {  	[tilespmem:s23+$0xAB00] =	vst v3  }
0x3a: {  	v17 =	vadd.s32 $0x680, v0;
	[tilespmem:s23+$0xAB80] =	vst v4  }
0x3b: {  	v18 =	vadd.s32 $0x6E8, v0;
	[tilespmem:s23+$0xAC00] =	vst v5  }
0x3c: {  	v19 =	vadd.s32 $0x750, v0;
	[tilespmem:s23+$0xAC80] =	vst v6  }
0x3d: {  	v20 =	vadd.s32 $0x7B8, v0;
	[tilespmem:s23+$0xAD00] =	vst v7  }
0x3e: {  	v21 =	vadd.s32 $0x820, v0;
	[tilespmem:s23+$0xAD80] =	vst v8  }
0x3f: {  	v22 =	vadd.s32 $0x888, v0;
	v1 =	vld.idx.msk [tilespmem:v17+s3+$0x0], $0xffff  }
0x40: {  	v23 =	vadd.s32 $0x8F0, v0;
	v2 =	vld.idx.msk [tilespmem:v18+s3+$0x0], $0xffff  }
0x41: {  	v24 =	vadd.s32 $0x958, v0;
	v3 =	vld.idx.msk [tilespmem:v19+s3+$0x0], $0xffff  }
0x42: {  	v4 =	vld.idx.msk [tilespmem:v20+s3+$0x0], $0xffff  }
0x43: {  	v5 =	vld.idx.msk [tilespmem:v21+s3+$0x0], $0xffff  }
0x44: {  	v6 =	vld.idx.msk [tilespmem:v22+s3+$0x0], $0xffff  }
0x45: {  	v7 =	vld.idx.msk [tilespmem:v23+s3+$0x0], $0xffff  }
0x46: {  	v8 =	vld.idx.msk [tilespmem:v24+s3+$0x0], $0xffff;
	[tilespmem:s23+$0xBA00] =	vst v1  }
0x47: {  	[tilespmem:s23+$0xBA80] =	vst v2  }
0x48: {  	[tilespmem:s23+$0xBB00] =	vst v3  }
0x49: {  	v25 =	vadd.s32 $0x9C0, v0;
	[tilespmem:s23+$0xBB80] =	vst v4  }
0x4a: {  	v26 =	vadd.s32 $0xA28, v0;
	[tilespmem:s23+$0xBC00] =	vst v5  }
0x4b: {  	v27 =	vadd.s32 $0xA90, v0;
	[tilespmem:s23+$0xBC80] =	vst v6  }
0x4c: {  	v28 =	vadd.s32 $0xAF8, v0;
	[tilespmem:s23+$0xBD00] =	vst v7  }
0x4d: {  	v29 =	vadd.s32 $0xB60, v0;
	[tilespmem:s23+$0xBD80] =	vst v8  }
0x4e: {  	v30 =	vadd.s32 $0xBC8, v0;
	v1 =	vld.idx.msk [tilespmem:v25+s3+$0x0], $0xffff  }
0x4f: {  	v31 =	vadd.s32 $0xC30, v0;
	v2 =	vld.idx.msk [tilespmem:v26+s3+$0x0], $0xffff  }
0x50: {  	v32 =	vadd.s32 $0xC98, v0;
	v3 =	vld.idx.msk [tilespmem:v27+s3+$0x0], $0xffff  }
0x51: {  	v4 =	vld.idx.msk [tilespmem:v28+s3+$0x0], $0xffff  }
0x52: {  	v5 =	vld.idx.msk [tilespmem:v29+s3+$0x0], $0xffff  }
0x53: {  	v6 =	vld.idx.msk [tilespmem:v30+s3+$0x0], $0xffff  }
0x54: {  	v7 =	vld.idx.msk [tilespmem:v31+s3+$0x0], $0xffff  }
0x55: {  	v8 =	vld.idx.msk [tilespmem:v32+s3+$0x0], $0xffff;
	[tilespmem:s23+$0xCA00] =	vst v1  }
0x56: {  	[tilespmem:s23+$0xCA80] =	vst v2  }
0x57: {  	[tilespmem:s23+$0xCB00] =	vst v3  }
0x58: {  	v33 =	vadd.s32 $0xD00, v0;
	[tilespmem:s23+$0xCB80] =	vst v4  }
0x59: {  	v34 =	vadd.s32 $0xD68, v0;
	[tilespmem:s23+$0xCC00] =	vst v5  }
0x5a: {  	v35 =	vadd.s32 $0xDD0, v0;
	[tilespmem:s23+$0xCC80] =	vst v6  }
0x5b: {  	v36 =	vadd.s32 $0xE38, v0;
	[tilespmem:s23+$0xCD00] =	vst v7  }
0x5c: {  	v37 =	vadd.s32 $0xEA0, v0;
	[tilespmem:s23+$0xCD80] =	vst v8  }
0x5d: {  	v38 =	vadd.s32 $0xF08, v0;
	v1 =	vld.idx.msk [tilespmem:v33+s3+$0x0], $0xffff  }
0x5e: {  	v39 =	vadd.s32 $0xF70, v0;
	v2 =	vld.idx.msk [tilespmem:v34+s3+$0x0], $0xffff  }
0x5f: {  	v40 =	vadd.s32 $0xFD8, v0;
	v3 =	vld.idx.msk [tilespmem:v35+s3+$0x0], $0xffff  }
0x60: {  	v4 =	vld.idx.msk [tilespmem:v36+s3+$0x0], $0xffff  }
0x61: {  	v5 =	vld.idx.msk [tilespmem:v37+s3+$0x0], $0xffff  }
0x62: {  	v6 =	vld.idx.msk [tilespmem:v38+s3+$0x0], $0xffff  }
0x63: {  	v7 =	vld.idx.msk [tilespmem:v39+s3+$0x0], $0xffff  }
0x64: {  	v8 =	vld.idx.msk [tilespmem:v40+s3+$0x0], $0xffff;
	[tilespmem:s23+$0xDA00] =	vst v1  }
0x65: {  	[tilespmem:s23+$0xDA80] =	vst v2  }
0x66: {  	[tilespmem:s23+$0xDB00] =	vst v3  }
0x67: {  	v41 =	vadd.s32 $0x1040, v0;
	[tilespmem:s23+$0xDB80] =	vst v4  }
0x68: {  	v42 =	vadd.s32 $0x10A8, v0;
	[tilespmem:s23+$0xDC00] =	vst v5  }
0x69: {  	v43 =	vadd.s32 $0x1110, v0;
	[tilespmem:s23+$0xDC80] =	vst v6  }
0x6a: {  	v44 =	vadd.s32 $0x1178, v0;
	[tilespmem:s23+$0xDD00] =	vst v7  }
0x6b: {  	v45 =	vadd.s32 $0x11E0, v0;
	[tilespmem:s23+$0xDD80] =	vst v8  }
0x6c: {  	v46 =	vadd.s32 $0x1248, v0;
	v1 =	vld.idx.msk [tilespmem:v41+s3+$0x0], $0xffff  }
0x6d: {  	v47 =	vadd.s32 $0x12B0, v0;
	v2 =	vld.idx.msk [tilespmem:v42+s3+$0x0], $0xffff  }
0x6e: {  	v48 =	vadd.s32 $0x1318, v0;
	v3 =	vld.idx.msk [tilespmem:v43+s3+$0x0], $0xffff  }
0x6f: {  	v4 =	vld.idx.msk [tilespmem:v44+s3+$0x0], $0xffff  }
0x70: {  	v5 =	vld.idx.msk [tilespmem:v45+s3+$0x0], $0xffff  }
0x71: {  	v6 =	vld.idx.msk [tilespmem:v46+s3+$0x0], $0xffff  }
0x72: {  	v7 =	vld.idx.msk [tilespmem:v47+s3+$0x0], $0xffff  }
0x73: {  	v8 =	vld.idx.msk [tilespmem:v48+s3+$0x0], $0xffff;
	[tilespmem:s23+$0xEA00] =	vst v1  }
0x74: {  	[tilespmem:s23+$0xEA80] =	vst v2  }
0x75: {  	[tilespmem:s23+$0xEB00] =	vst v3  }
0x76: {  	v49 =	vadd.s32 $0x1380, v0;
	[tilespmem:s23+$0xEB80] =	vst v4  }
0x77: {  	v50 =	vadd.s32 $0x13E8, v0;
	[tilespmem:s23+$0xEC00] =	vst v5  }
0x78: {  	v51 =	vadd.s32 $0x1450, v0;
	[tilespmem:s23+$0xEC80] =	vst v6  }
0x79: {  	v52 =	vadd.s32 $0x14B8, v0;
	[tilespmem:s23+$0xED00] =	vst v7  }
0x7a: {  	v53 =	vadd.s32 $0x1520, v0;
	[tilespmem:s23+$0xED80] =	vst v8  }
0x7b: {  	v54 =	vadd.s32 $0x1588, v0;
	v1 =	vld.idx.msk [tilespmem:v49+s3+$0x0], $0xffff  }
0x7c: {  	v55 =	vadd.s32 $0x15F0, v0;
	v2 =	vld.idx.msk [tilespmem:v50+s3+$0x0], $0xffff  }
0x7d: {  	v56 =	vadd.s32 $0x1658, v0;
	v3 =	vld.idx.msk [tilespmem:v51+s3+$0x0], $0xffff  }
0x7e: {  	v4 =	vld.idx.msk [tilespmem:v52+s3+$0x0], $0xffff  }
0x7f: {  	v5 =	vld.idx.msk [tilespmem:v53+s3+$0x0], $0xffff  }
0x80: {  	v6 =	vld.idx.msk [tilespmem:v54+s3+$0x0], $0xffff  }
0x81: {  	v7 =	vld.idx.msk [tilespmem:v55+s3+$0x0], $0xffff  }
0x82: {  	v8 =	vld.idx.msk [tilespmem:v56+s3+$0x0], $0xffff;
	[tilespmem:s23+$0xFA00] =	vst v1  }
0x83: {  	[tilespmem:s23+$0xFA80] =	vst v2  }
0x84: {  	[tilespmem:s23+$0xFB00] =	vst v3  }
0x85: {  	v57 =	vadd.s32 $0x16C0, v0;
	[tilespmem:s23+$0xFB80] =	vst v4  }
0x86: {  	v58 =	vadd.s32 $0x1728, v0;
	[tilespmem:s23+$0xFC00] =	vst v5  }
0x87: {  	v59 =	vadd.s32 $0x1790, v0;
	[tilespmem:s23+$0xFC80] =	vst v6  }
0x88: {  	v60 =	vadd.s32 $0x17F8, v0;
	[tilespmem:s23+$0xFD00] =	vst v7  }
0x89: {  	v61 =	vadd.s32 $0x1860, v0;
	[tilespmem:s23+$0xFD80] =	vst v8  }
0x8a: {  	v62 =	vadd.s32 $0x18C8, v0;
	v1 =	vld.idx.msk [tilespmem:v57+s3+$0x0], $0xffff  }
0x8b: {  	v63 =	vadd.s32 $0x1930, v0;
	v2 =	vld.idx.msk [tilespmem:v58+s3+$0x0], $0xffff  }
0x8c: {  	v0 =	vadd.s32 $0x1998, v0;
	v3 =	vld.idx.msk [tilespmem:v59+s3+$0x0], $0xffff  }
0x8d: {  	v4 =	vld.idx.msk [tilespmem:v60+s3+$0x0], $0xffff  }
0x8e: {  	v5 =	vld.idx.msk [tilespmem:v61+s3+$0x0], $0xffff  }
0x8f: {  	v6 =	vld.idx.msk [tilespmem:v62+s3+$0x0], $0xffff  }
0x90: {  	v7 =	vld.idx.msk [tilespmem:v63+s3+$0x0], $0xffff  }
0x91: {  	v0 =	vld.idx.msk [tilespmem:v0+s3+$0x0], $0xffff;
	[tilespmem:s23+$0x10A00] =	vst v1  }
0x92: {  	[tilespmem:s23+$0x10A80] =	vst v2  }
0x93: {  	p1 =	sne.s32 s22, $0x1F0;
	[tilespmem:s23+$0x10B00] =	vst v3  }
.Ltmp0:
0x94: {  	[tilespmem:s23+$0x10B80] =	vst v4;
	(pc) =	sbr.rel @p1 .LBB2_3-.Ltmp0, $4  }
0x95: {  	[tilespmem:s23+$0x10C00] =	vst v5  }
0x96: {  	[tilespmem:s23+$0x10C80] =	vst v6  }
0x97: {  	[tilespmem:s23+$0x10D00] =	vst v7  }
0x98: {  	s21 =	sadd.s32 $0x80, s21;
	s22 =	sadd.s32 $0x10, s22;
	[tilespmem:s23+$0x10D80] =	vst v0  }
0x99: {  	s20 =	sshll.u32 s17, $0x15  }
0x9a: {  	s20 =	sor.u32 s4, s20  }
0x9b: {  	s20 =	sshrl.u32 s20, $0x3  }
0x9c: {  	s20 =	sadd.s32 s2, s20  }
0x9d: {  	[hbm4b:s20+s9] =	stream.strided.scatter [tilespmem:s12], [sflag:$0x1], $0x8000, s10, s9, $0x38;
	[tilespmem:$0x19A00] =	vst v63  }
0x9e: {  	s18 =	sor.u32 $0x1, s18;
	s20 =	simm.s32 @!p0 $0x2  }
0x9f: {  	s21 =	sshll.u32 s18, $0x7;
	_ =	swait.ge @!p0 [sflag:s20], $0x8000  }
0xa0: {  	s31 =	sand.u32 $0x380, s21;
	s21 =	simm.s32 $0x0;
	[sflag:s20] =	ssyncset.done @!p0 $0x0  }
0xa1: {  	s19 =	sadd.s32 s31, s19;
	[sflag:s20] =	ssyncadd.s32 @!p0 $0xFFFF8000;
	s20 =	simm.s32 $0x0  }
.LBB2_5:
0xa2: {  	s22 =	sand.u32 $0xC00, s20  }
0xa3: {  	s23 =	sand.u32 $0x70, s21;
	s24 =	sadd.s32 s22, s19  }
0xa4: {  	s24 =	sadd.s32 s23, s24  }
0xa5: {  	v0 =	vld [tilespmem:s24+$0x0];
	_ =	sdelay $0x4  }
0xa6: {  	v1 =	vadd.s32 $0x68, v0  }
0xa7: {  	v2 =	vadd.s32 $0xD0, v0  }
0xa8: {  	v3 =	vadd.s32 $0x138, v0  }
0xa9: {  	v4 =	vadd.s32 $0x1A0, v0  }
0xaa: {  	v6 =	vadd.s32 $0x208, v0;
	v5 =	vld.idx.msk [tilespmem:v0+s3+$0x0], $0xffff  }
0xab: {  	v7 =	vadd.s32 $0x270, v0;
	v1 =	vld.idx.msk [tilespmem:v1+s3+$0x0], $0xffff  }
0xac: {  	v8 =	vadd.s32 $0x2D8, v0;
	v2 =	vld.idx.msk [tilespmem:v2+s3+$0x0], $0xffff  }
0xad: {  	v3 =	vld.idx.msk [tilespmem:v3+s3+$0x0], $0xffff  }
0xae: {  	v4 =	vld.idx.msk [tilespmem:v4+s3+$0x0], $0xffff  }
0xaf: {  	v6 =	vld.idx.msk [tilespmem:v6+s3+$0x0], $0xffff  }
0xb0: {  	s22 =	sor.u32 s23, s22;
	v7 =	vld.idx.msk [tilespmem:v7+s3+$0x0], $0xffff  }
0xb1: {  	v8 =	vld.idx.msk [tilespmem:v8+s3+$0x0], $0xffff;
	[tilespmem:s22+$0x11A00] =	vst v5  }
0xb2: {  	[tilespmem:s22+$0x11A80] =	vst v1  }
0xb3: {  	[tilespmem:s22+$0x11B00] =	vst v2  }
0xb4: {  	v9 =	vadd.s32 $0x340, v0;
	[tilespmem:s22+$0x11B80] =	vst v3  }
0xb5: {  	v10 =	vadd.s32 $0x3A8, v0;
	[tilespmem:s22+$0x11C00] =	vst v4  }
0xb6: {  	v11 =	vadd.s32 $0x410, v0;
	[tilespmem:s22+$0x11C80] =	vst v6  }
0xb7: {  	v12 =	vadd.s32 $0x478, v0;
	[tilespmem:s22+$0x11D00] =	vst v7  }
0xb8: {  	v13 =	vadd.s32 $0x4E0, v0;
	[tilespmem:s22+$0x11D80] =	vst v8  }
0xb9: {  	v14 =	vadd.s32 $0x548, v0;
	v1 =	vld.idx.msk [tilespmem:v9+s3+$0x0], $0xffff  }
0xba: {  	v15 =	vadd.s32 $0x5B0, v0;
	v2 =	vld.idx.msk [tilespmem:v10+s3+$0x0], $0xffff  }
0xbb: {  	v16 =	vadd.s32 $0x618, v0;
	v3 =	vld.idx.msk [tilespmem:v11+s3+$0x0], $0xffff  }
0xbc: {  	v4 =	vld.idx.msk [tilespmem:v12+s3+$0x0], $0xffff  }
0xbd: {  	v5 =	vld.idx.msk [tilespmem:v13+s3+$0x0], $0xffff  }
0xbe: {  	v6 =	vld.idx.msk [tilespmem:v14+s3+$0x0], $0xffff  }
0xbf: {  	v7 =	vld.idx.msk [tilespmem:v15+s3+$0x0], $0xffff  }
0xc0: {  	v8 =	vld.idx.msk [tilespmem:v16+s3+$0x0], $0xffff;
	[tilespmem:s22+$0x12A00] =	vst v1  }
0xc1: {  	[tilespmem:s22+$0x12A80] =	vst v2  }
0xc2: {  	[tilespmem:s22+$0x12B00] =	vst v3  }
0xc3: {  	v17 =	vadd.s32 $0x680, v0;
	[tilespmem:s22+$0x12B80] =	vst v4  }
0xc4: {  	v18 =	vadd.s32 $0x6E8, v0;
	[tilespmem:s22+$0x12C00] =	vst v5  }
0xc5: {  	v19 =	vadd.s32 $0x750, v0;
	[tilespmem:s22+$0x12C80] =	vst v6  }
0xc6: {  	v20 =	vadd.s32 $0x7B8, v0;
	[tilespmem:s22+$0x12D00] =	vst v7  }
0xc7: {  	v21 =	vadd.s32 $0x820, v0;
	[tilespmem:s22+$0x12D80] =	vst v8  }
0xc8: {  	v22 =	vadd.s32 $0x888, v0;
	v1 =	vld.idx.msk [tilespmem:v17+s3+$0x0], $0xffff  }
0xc9: {  	v23 =	vadd.s32 $0x8F0, v0;
	v2 =	vld.idx.msk [tilespmem:v18+s3+$0x0], $0xffff  }
0xca: {  	v24 =	vadd.s32 $0x958, v0;
	v3 =	vld.idx.msk [tilespmem:v19+s3+$0x0], $0xffff  }
0xcb: {  	v4 =	vld.idx.msk [tilespmem:v20+s3+$0x0], $0xffff  }
0xcc: {  	v5 =	vld.idx.msk [tilespmem:v21+s3+$0x0], $0xffff  }
0xcd: {  	v6 =	vld.idx.msk [tilespmem:v22+s3+$0x0], $0xffff  }
0xce: {  	v7 =	vld.idx.msk [tilespmem:v23+s3+$0x0], $0xffff  }
0xcf: {  	v8 =	vld.idx.msk [tilespmem:v24+s3+$0x0], $0xffff;
	[tilespmem:s22+$0x13A00] =	vst v1  }
0xd0: {  	[tilespmem:s22+$0x13A80] =	vst v2  }
0xd1: {  	[tilespmem:s22+$0x13B00] =	vst v3  }
0xd2: {  	v25 =	vadd.s32 $0x9C0, v0;
	[tilespmem:s22+$0x13B80] =	vst v4  }
0xd3: {  	v26 =	vadd.s32 $0xA28, v0;
	[tilespmem:s22+$0x13C00] =	vst v5  }
0xd4: {  	v27 =	vadd.s32 $0xA90, v0;
	[tilespmem:s22+$0x13C80] =	vst v6  }
0xd5: {  	v28 =	vadd.s32 $0xAF8, v0;
	[tilespmem:s22+$0x13D00] =	vst v7  }
0xd6: {  	v29 =	vadd.s32 $0xB60, v0;
	[tilespmem:s22+$0x13D80] =	vst v8  }
0xd7: {  	v30 =	vadd.s32 $0xBC8, v0;
	v1 =	vld.idx.msk [tilespmem:v25+s3+$0x0], $0xffff  }
0xd8: {  	v31 =	vadd.s32 $0xC30, v0;
	v2 =	vld.idx.msk [tilespmem:v26+s3+$0x0], $0xffff  }
0xd9: {  	v32 =	vadd.s32 $0xC98, v0;
	v3 =	vld.idx.msk [tilespmem:v27+s3+$0x0], $0xffff  }
0xda: {  	v4 =	vld.idx.msk [tilespmem:v28+s3+$0x0], $0xffff  }
0xdb: {  	v5 =	vld.idx.msk [tilespmem:v29+s3+$0x0], $0xffff  }
0xdc: {  	v6 =	vld.idx.msk [tilespmem:v30+s3+$0x0], $0xffff  }
0xdd: {  	v7 =	vld.idx.msk [tilespmem:v31+s3+$0x0], $0xffff  }
0xde: {  	v8 =	vld.idx.msk [tilespmem:v32+s3+$0x0], $0xffff;
	[tilespmem:s22+$0x14A00] =	vst v1  }
0xdf: {  	[tilespmem:s22+$0x14A80] =	vst v2  }
0xe0: {  	[tilespmem:s22+$0x14B00] =	vst v3  }
0xe1: {  	v33 =	vadd.s32 $0xD00, v0;
	[tilespmem:s22+$0x14B80] =	vst v4  }
0xe2: {  	v34 =	vadd.s32 $0xD68, v0;
	[tilespmem:s22+$0x14C00] =	vst v5  }
0xe3: {  	v35 =	vadd.s32 $0xDD0, v0;
	[tilespmem:s22+$0x14C80] =	vst v6  }
0xe4: {  	v36 =	vadd.s32 $0xE38, v0;
	[tilespmem:s22+$0x14D00] =	vst v7  }
0xe5: {  	v37 =	vadd.s32 $0xEA0, v0;
	[tilespmem:s22+$0x14D80] =	vst v8  }
0xe6: {  	v38 =	vadd.s32 $0xF08, v0;
	v1 =	vld.idx.msk [tilespmem:v33+s3+$0x0], $0xffff  }
0xe7: {  	v39 =	vadd.s32 $0xF70, v0;
	v2 =	vld.idx.msk [tilespmem:v34+s3+$0x0], $0xffff  }
0xe8: {  	v40 =	vadd.s32 $0xFD8, v0;
	v3 =	vld.idx.msk [tilespmem:v35+s3+$0x0], $0xffff  }
0xe9: {  	v4 =	vld.idx.msk [tilespmem:v36+s3+$0x0], $0xffff  }
0xea: {  	v5 =	vld.idx.msk [tilespmem:v37+s3+$0x0], $0xffff  }
0xeb: {  	v6 =	vld.idx.msk [tilespmem:v38+s3+$0x0], $0xffff  }
0xec: {  	v7 =	vld.idx.msk [tilespmem:v39+s3+$0x0], $0xffff  }
0xed: {  	v8 =	vld.idx.msk [tilespmem:v40+s3+$0x0], $0xffff;
	[tilespmem:s22+$0x15A00] =	vst v1  }
0xee: {  	[tilespmem:s22+$0x15A80] =	vst v2  }
0xef: {  	[tilespmem:s22+$0x15B00] =	vst v3  }
0xf0: {  	v41 =	vadd.s32 $0x1040, v0;
	[tilespmem:s22+$0x15B80] =	vst v4  }
0xf1: {  	v42 =	vadd.s32 $0x10A8, v0;
	[tilespmem:s22+$0x15C00] =	vst v5  }
0xf2: {  	v43 =	vadd.s32 $0x1110, v0;
	[tilespmem:s22+$0x15C80] =	vst v6  }
0xf3: {  	v44 =	vadd.s32 $0x1178, v0;
	[tilespmem:s22+$0x15D00] =	vst v7  }
0xf4: {  	v45 =	vadd.s32 $0x11E0, v0;
	[tilespmem:s22+$0x15D80] =	vst v8  }
0xf5: {  	v46 =	vadd.s32 $0x1248, v0;
	v1 =	vld.idx.msk [tilespmem:v41+s3+$0x0], $0xffff  }
0xf6: {  	v47 =	vadd.s32 $0x12B0, v0;
	v2 =	vld.idx.msk [tilespmem:v42+s3+$0x0], $0xffff  }
0xf7: {  	v48 =	vadd.s32 $0x1318, v0;
	v3 =	vld.idx.msk [tilespmem:v43+s3+$0x0], $0xffff  }
0xf8: {  	v4 =	vld.idx.msk [tilespmem:v44+s3+$0x0], $0xffff  }
0xf9: {  	v5 =	vld.idx.msk [tilespmem:v45+s3+$0x0], $0xffff  }
0xfa: {  	v6 =	vld.idx.msk [tilespmem:v46+s3+$0x0], $0xffff  }
0xfb: {  	v7 =	vld.idx.msk [tilespmem:v47+s3+$0x0], $0xffff  }
0xfc: {  	v8 =	vld.idx.msk [tilespmem:v48+s3+$0x0], $0xffff;
	[tilespmem:s22+$0x16A00] =	vst v1  }
0xfd: {  	[tilespmem:s22+$0x16A80] =	vst v2  }
0xfe: {  	[tilespmem:s22+$0x16B00] =	vst v3  }
0xff: {  	v49 =	vadd.s32 $0x1380, v0;
	[tilespmem:s22+$0x16B80] =	vst v4  }
0x100: {  	v50 =	vadd.s32 $0x13E8, v0;
	[tilespmem:s22+$0x16C00] =	vst v5  }
0x101: {  	v51 =	vadd.s32 $0x1450, v0;
	[tilespmem:s22+$0x16C80] =	vst v6  }
0x102: {  	v52 =	vadd.s32 $0x14B8, v0;
	[tilespmem:s22+$0x16D00] =	vst v7  }
0x103: {  	v53 =	vadd.s32 $0x1520, v0;
	[tilespmem:s22+$0x16D80] =	vst v8  }
0x104: {  	v54 =	vadd.s32 $0x1588, v0;
	v1 =	vld.idx.msk [tilespmem:v49+s3+$0x0], $0xffff  }
0x105: {  	v55 =	vadd.s32 $0x15F0, v0;
	v2 =	vld.idx.msk [tilespmem:v50+s3+$0x0], $0xffff  }
0x106: {  	v56 =	vadd.s32 $0x1658, v0;
	v3 =	vld.idx.msk [tilespmem:v51+s3+$0x0], $0xffff  }
0x107: {  	v4 =	vld.idx.msk [tilespmem:v52+s3+$0x0], $0xffff  }
0x108: {  	v5 =	vld.idx.msk [tilespmem:v53+s3+$0x0], $0xffff  }
0x109: {  	v6 =	vld.idx.msk [tilespmem:v54+s3+$0x0], $0xffff  }
0x10a: {  	v7 =	vld.idx.msk [tilespmem:v55+s3+$0x0], $0xffff  }
0x10b: {  	v8 =	vld.idx.msk [tilespmem:v56+s3+$0x0], $0xffff;
	[tilespmem:s22+$0x17A00] =	vst v1  }
0x10c: {  	[tilespmem:s22+$0x17A80] =	vst v2  }
0x10d: {  	[tilespmem:s22+$0x17B00] =	vst v3  }
0x10e: {  	v57 =	vadd.s32 $0x16C0, v0;
	[tilespmem:s22+$0x17B80] =	vst v4  }
0x10f: {  	v58 =	vadd.s32 $0x1728, v0;
	[tilespmem:s22+$0x17C00] =	vst v5  }
0x110: {  	v59 =	vadd.s32 $0x1790, v0;
	[tilespmem:s22+$0x17C80] =	vst v6  }
0x111: {  	v60 =	vadd.s32 $0x17F8, v0;
	[tilespmem:s22+$0x17D00] =	vst v7  }
0x112: {  	v61 =	vadd.s32 $0x1860, v0;
	[tilespmem:s22+$0x17D80] =	vst v8  }
0x113: {  	v62 =	vadd.s32 $0x18C8, v0;
	v1 =	vld.idx.msk [tilespmem:v57+s3+$0x0], $0xffff  }
0x114: {  	v63 =	vadd.s32 $0x1930, v0;
	v2 =	vld.idx.msk [tilespmem:v58+s3+$0x0], $0xffff  }
0x115: {  	v0 =	vadd.s32 $0x1998, v0;
	v3 =	vld.idx.msk [tilespmem:v59+s3+$0x0], $0xffff  }
0x116: {  	v4 =	vld.idx.msk [tilespmem:v60+s3+$0x0], $0xffff  }
0x117: {  	v5 =	vld.idx.msk [tilespmem:v61+s3+$0x0], $0xffff  }
0x118: {  	v6 =	vld.idx.msk [tilespmem:v62+s3+$0x0], $0xffff  }
0x119: {  	v7 =	vld.idx.msk [tilespmem:v63+s3+$0x0], $0xffff  }
0x11a: {  	v0 =	vld.idx.msk [tilespmem:v0+s3+$0x0], $0xffff;
	[tilespmem:s22+$0x18A00] =	vst v1  }
0x11b: {  	[tilespmem:s22+$0x18A80] =	vst v2  }
0x11c: {  	p0 =	sne.s32 s21, $0x1F0;
	[tilespmem:s22+$0x18B00] =	vst v3  }
.Ltmp1:
0x11d: {  	[tilespmem:s22+$0x18B80] =	vst v4;
	(pc) =	sbr.rel @p0 .LBB2_5-.Ltmp1, $4  }
0x11e: {  	[tilespmem:s22+$0x18C00] =	vst v5  }
0x11f: {  	[tilespmem:s22+$0x18C80] =	vst v6  }
0x120: {  	[tilespmem:s22+$0x18D00] =	vst v7  }
0x121: {  	s20 =	sadd.s32 $0x80, s20;
	s21 =	sadd.s32 $0x10, s21;
	[tilespmem:s22+$0x18D80] =	vst v0  }
0x122: {  	s17 =	sadd.s32 $0x1, s17  }
0x123: {  	p0 =	sne.s32 s17, $0x19  }
.Ltmp2:
0x124: {  	s18 =	sshll.u32 s18, $0x14;
	(pc) =	sbr.rel @p0 .LBB2_2-.Ltmp2, $4  }
0x125: {  	s18 =	sor.u32 s4, s18  }
0x126: {  	s18 =	sshrl.u32 s18, $0x3  }
0x127: {  	s18 =	sadd.s32 s2, s18  }
0x128: {  	[hbm4b:s18+s9] =	stream.strided.scatter [tilespmem:s13], [sflag:$0x2], $0x8000, s10, s9, $0x38;
	[tilespmem:$0x19A00] =	vst v63  }
0x129: {  	s16 =	sadd.s32 $0x1, s16  }
0x12a: {  	_ =	swait.ge [sflag:s14], $0x8000;
	p0 =	sne.s32 s16, s7  }
.Ltmp3:
0x12b: {  	[sflag:s14] =	ssyncset.done $0x0;
	(pc) =	sbr.rel @p0 .LBB2_1-.Ltmp3, $4  }
0x12c: {  	[sflag:s14] =	ssyncadd.s32 $0xFFFF8000  }
0x12d: {  	_ =	swait.ge [sflag:s15], $0x8000  }
0x12e: {  	[sflag:s15] =	ssyncset.done $0x0  }
0x12f: {  	[sflag:s15] =	ssyncadd.s32 $0xFFFF8000  }
0x130: {  	_ =	sfence.sel $0x180000  }
0x131: {  	[bflag:$0x0] =	sbarrier.arrive $0xFFFF  }
0x132: {  	p0 =	sne.s32 s1, $0x0;
	_ =	strace $0x90000047  }
0x133: {  	s0 =	sadd.s32 @!p0 $0x100000, s0;
	[bflag:$0x2] =	sbarrier.arrive $0xFFFF  }
0x134: {  	[sflag:s0] =	ssyncadd.tile.s32 @!p0 $0x1;
	_ =	shalt  }
.Lfunc_end2:
_tile_overlayer_lowered:
.L_overlay_start_2:
0x135: {  	(tag) =	ssettag $0x2  }
0x136: {  	s0 =	rddreg [dreg:$0x0];
	s2 =	stileid.u32  }
0x137: {  	s1 =	rddreg [dreg:$0x1];
	p0 =	sne.s32 s2, $0x0  }
0x138: {  	s3 =	rddreg [dreg:$0x2];
	[bflag:$0x3] =	sbarrier.arrive $0xFFFF;
	s2 =	simm.s32 @!p0 $0x1C03  }
0x139: {  	[timem:s3], [sflag:s2] =	dma.local @!p0 [hbm:s0], s1  }
0x13a: {  	s0 =	simm.s32 @!p0 $0x3  }
0x13b: {  	_ =	swait.ge @!p0 [sflag:s0], s1  }
0x13c: {  	s1 =	ssub.s32 @!p0 $0x0, s1;
	[sflag:s0] =	ssyncset.done @!p0 $0x0  }
0x13d: {  	[sflag:s0] =	ssyncadd.s32 @!p0 s1  }
0x13e: {  	[bflag:$0x3] =	sbarrier.arrive $0xFFFF  }
0x13f: {  	_ =	shalt  }

</sc_bundles>
